<compile_context>
chip_gen: v7x
topology: tpu7x:2x2x1
jax: 0.10.2.dev20260603
libtpu: 0.0.44.dev20260713+nightly
codegen_flags: <defaults>
</compile_context>

<pallas_src>
import functools

import jax
import jax.numpy as jnp
from jax import lax
from jax.experimental import pallas as pl
from jax.experimental.pallas import tpu as pltpu
from jax.experimental.pallas import tpu_sc as plsc

N = 50000
E = 800000
H = 32
D = 64
NC, NS, LANES = 2, 16, 16
NW = NC * NS

CH = 128
NP = 53248
PER_TILE_NODES = NP // NS
PER_WORKER_ROWS = NP // (NW * CH)
EP = 802816
EROWS = EP // CH
MSG_ROWS_PER_TILE = EROWS // NS
DEG_ROWS_PER_WORKER = EROWS // NW
TRASH = N

BLK = 2048
NBLK = NP // BLK

_mesh = plsc.VectorSubcoreMesh(core_axis_name="c", subcore_axis_name="s")
_sc_params = pltpu.CompilerParams(use_tc_tiling_on_sc=False)
f32 = jnp.float32


def _embed_deg_body(user_table, item_table, uidR, iidR, dstR, z1d, ones_h,
                    xU, xI, degp,
                    idx_v, rows_v, dst_v, ones_v, deg_sp, sem):
    c = lax.axis_index("c")
    s = lax.axis_index("s")
    wid = s * NC + c

    pltpu.sync_copy(z1d, deg_sp.at[pl.ds(s * PER_TILE_NODES, PER_TILE_NODES)])
    pltpu.sync_copy(ones_h, ones_v)
    plsc.subcore_barrier()

    @pl.loop(0, PER_WORKER_ROWS)
    def _(k):
        row = wid * PER_WORKER_ROWS + k
        pltpu.sync_copy(uidR.at[row], idx_v)
        pltpu.async_copy(user_table.at[idx_v], rows_v, sem).wait()
        pltpu.sync_copy(rows_v, xU.at[pl.ds(row * CH, CH)])
        pltpu.sync_copy(iidR.at[row], idx_v)
        pltpu.async_copy(item_table.at[idx_v], rows_v, sem).wait()
        pltpu.sync_copy(rows_v, xI.at[pl.ds(row * CH, CH)])

    @pl.loop(0, DEG_ROWS_PER_WORKER)
    def _(k):
        row = wid * DEG_ROWS_PER_WORKER + k
        pltpu.sync_copy(dstR.at[row], dst_v)
        pltpu.sync_copy(ones_v, deg_sp.at[dst_v], add=True)

    plsc.subcore_barrier()
    pltpu.sync_copy(deg_sp.at[pl.ds(s * PER_TILE_NODES, PER_TILE_NODES)],
                    degp.at[c, pl.ds(s * PER_TILE_NODES, PER_TILE_NODES)])


_embed_deg = pl.kernel(
    _embed_deg_body,
    out_type=(
        jax.ShapeDtypeStruct((NP, H), f32),
        jax.ShapeDtypeStruct((NP, H), f32),
        jax.ShapeDtypeStruct((NC, NP), f32),
    ),
    mesh=_mesh,
    scratch_types=[
        pltpu.VMEM((CH,), jnp.int32),
        pltpu.VMEM((CH, H), f32),
        pltpu.VMEM((CH,), jnp.int32),
        pltpu.VMEM((CH,), f32),
        pltpu.VMEM_SHARED((NP,), f32),
        pltpu.SemaphoreType.DMA,
    ],
    compiler_params=_sc_params,
)


def _msg_body(hsL, hsR, srcR, dstR, z2d,
              accL, accR,
              src_v, dst_v, rows_v, acc_sp, sem):
    c = lax.axis_index("c")
    s = lax.axis_index("s")

    pltpu.sync_copy(z2d, acc_sp.at[pl.ds(s * PER_TILE_NODES, PER_TILE_NODES)])
    plsc.subcore_barrier()

    def do_half(hs_ref, out_ref):
        @pl.loop(0, MSG_ROWS_PER_TILE)
        def _(k):
            row = s * MSG_ROWS_PER_TILE + k
            pltpu.sync_copy(srcR.at[row], src_v)
            pltpu.sync_copy(dstR.at[row], dst_v)
            pltpu.async_copy(hs_ref.at[src_v], rows_v, sem).wait()
            pltpu.sync_copy(rows_v, acc_sp.at[dst_v], add=True)

        plsc.subcore_barrier()
        pltpu.sync_copy(acc_sp.at[pl.ds(s * PER_TILE_NODES, PER_TILE_NODES)],
                        out_ref.at[pl.ds(s * PER_TILE_NODES, PER_TILE_NODES)])

    @pl.when(c == 0)
    def _():
        do_half(hsL, accL)

    @pl.when(c == 1)
    def _():
        do_half(hsR, accR)


_msg_pass = pl.kernel(
    _msg_body,
    out_type=(
        jax.ShapeDtypeStruct((NP, H), f32),
        jax.ShapeDtypeStruct((NP, H), f32),
    ),
    mesh=_mesh,
    scratch_types=[
        pltpu.VMEM((CH,), jnp.int32),
        pltpu.VMEM((CH,), jnp.int32),
        pltpu.VMEM((CH, H), f32),
        pltpu.VMEM_SHARED((NP, H), f32),
        pltpu.SemaphoreType.DMA,
    ],
    compiler_params=_sc_params,
)


def _tc_a_body(xu, xi, degp, w1u, w1i, hsl, hsr, dinv):
    deg = degp[0, :] + degp[1, :] + 1.0
    di = lax.rsqrt(deg)
    h = (jnp.dot(xu[...], w1u[...], preferred_element_type=f32, precision=lax.Precision.HIGHEST)
         + jnp.dot(xi[...], w1i[...], preferred_element_type=f32, precision=lax.Precision.HIGHEST))
    hs = h * di[:, None]
    hsl[...] = hs[:, :H]
    hsr[...] = hs[:, H:]
    dinv[...] = di


def _tc_mid_body(accl, accr, hsl, hsr, dinv, b, w2u, w2i, o_hsl, o_hsr):
    di = dinv[...]
    xl = jnp.maximum(di[:, None] * (accl[...] + hsl[...]) + b[0, :H], 0.0)
    xr = jnp.maximum(di[:, None] * (accr[...] + hsr[...]) + b[0, H:], 0.0)
    h = (jnp.dot(xl, w2u[...], preferred_element_type=f32, precision=lax.Precision.HIGHEST)
         + jnp.dot(xr, w2i[...], preferred_element_type=f32, precision=lax.Precision.HIGHEST))
    hs = h * di[:, None]
    o_hsl[...] = hs[:, :H]
    o_hsr[...] = hs[:, H:]


def _tc_fin_body(accl, accr, hsl, hsr, dinv, b, wp, bp, out):
    di = dinv[...]
    xl = jnp.maximum(di[:, None] * (accl[...] + hsl[...]) + b[0, :H], 0.0)
    xr = jnp.maximum(di[:, None] * (accr[...] + hsr[...]) + b[0, H:], 0.0)
    r = (jnp.sum(xl * wp[0, :H], axis=1) + jnp.sum(xr * wp[0, H:], axis=1)
         + bp[0, 0])
    out[...] = r.reshape(1, 1, BLK)


def _row_spec(width):
    return pl.BlockSpec((BLK, width), lambda i: (i, 0))


def _full_spec(shape):
    return pl.BlockSpec(shape, lambda i: tuple(0 for _ in shape))


_tc_a = pl.pallas_call(
    _tc_a_body,
    grid=(NBLK,),
    in_specs=[
        _row_spec(H), _row_spec(H),
        pl.BlockSpec((NC, BLK), lambda i: (0, i)),
        _full_spec((H, D)), _full_spec((H, D)),
    ],
    out_specs=[
        _row_spec(H), _row_spec(H),
        pl.BlockSpec((BLK,), lambda i: (i,)),
    ],
    out_shape=(
        jax.ShapeDtypeStruct((NP, H), f32),
        jax.ShapeDtypeStruct((NP, H), f32),
        jax.ShapeDtypeStruct((NP,), f32),
    ),
)

_tc_mid = pl.pallas_call(
    _tc_mid_body,
    grid=(NBLK,),
    in_specs=[
        _row_spec(H), _row_spec(H), _row_spec(H), _row_spec(H),
        pl.BlockSpec((BLK,), lambda i: (i,)),
        _full_spec((1, D)), _full_spec((H, D)), _full_spec((H, D)),
    ],
    out_specs=[_row_spec(H), _row_spec(H)],
    out_shape=(
        jax.ShapeDtypeStruct((NP, H), f32),
        jax.ShapeDtypeStruct((NP, H), f32),
    ),
)

_tc_fin = pl.pallas_call(
    _tc_fin_body,
    grid=(NBLK,),
    in_specs=[
        _row_spec(H), _row_spec(H), _row_spec(H), _row_spec(H),
        pl.BlockSpec((BLK,), lambda i: (i,)),
        _full_spec((1, D)), _full_spec((1, D)), _full_spec((1, 1)),
    ],
    out_specs=pl.BlockSpec((1, 1, BLK), lambda i: (i, 0, 0)),
    out_shape=jax.ShapeDtypeStruct((NBLK, 1, BLK), f32),
)


@jax.jit
def _run(user_ids, item_ids, edge_index, user_table, item_table,
         W1, b1, W2, b2, Wp, bp):
    uidR = jnp.pad(user_ids.astype(jnp.int32), (0, NP - N)).reshape(NP // CH, CH)
    iidR = jnp.pad(item_ids.astype(jnp.int32), (0, NP - N)).reshape(NP // CH, CH)
    src = jnp.pad(edge_index[0].astype(jnp.int32), (0, EP - E))
    dst = jnp.pad(edge_index[1].astype(jnp.int32), (0, EP - E),
                  constant_values=TRASH)
    srcR = src.reshape(EROWS, CH)
    dstR = dst.reshape(EROWS, CH)
    z1d = jnp.zeros((PER_TILE_NODES,), f32)
    z2d = jnp.zeros((PER_TILE_NODES, H), f32)
    ones_h = jnp.ones((CH,), f32)

    xU, xI, degp = _embed_deg(user_table, item_table, uidR, iidR, dstR,
                              z1d, ones_h)

    hs1L, hs1R, dinv = _tc_a(xU, xI, degp, W1[:H, :], W1[H:, :])
    acc1L, acc1R = _msg_pass(hs1L, hs1R, srcR, dstR, z2d)
    hs2L, hs2R = _tc_mid(acc1L, acc1R, hs1L, hs1R, dinv,
                         b1.reshape(1, D), W2[:H, :], W2[H:, :])
    acc2L, acc2R = _msg_pass(hs2L, hs2R, srcR, dstR, z2d)
    ratings = _tc_fin(acc2L, acc2R, hs2L, hs2R, dinv,
                      b2.reshape(1, D), Wp.reshape(1, D), bp.reshape(1, 1))
    return ratings.reshape(NP)[:N]


def kernel(user_ids, item_ids, edge_index, user_table, item_table,
           W1, b1, W2, b2, Wp, bp):
    return _run(user_ids, item_ids, edge_index, user_table, item_table,
                W1, b1, W2, b2, Wp, bp)

# --- scband reference (transcript-rebuilt; emitter-appended) ---
"""Pipeline reference for scband-social-gnnmodel-68109591380390 (READ-ONLY COPY).

The authoritative reference and input builder live on the scoring server;
editing this copy changes nothing except your own understanding.
"""

import jax, jax.numpy as jnp
import numpy as np

NUM_USERS = 1000000
NUM_ITEMS = 1000000
HIDDEN = 32
N_NODES = 50000
N_EDGES = 800000
D = 2 * HIDDEN  # concat of user and item embeddings


def setup_inputs(seed: int = 0) -> dict:
    key = jax.random.key(seed)
    ks = jax.random.split(key, 12)
    user_ids = jax.random.randint(ks[0], (N_NODES,), 0, NUM_USERS)
    item_ids = jax.random.randint(ks[1], (N_NODES,), 0, NUM_ITEMS)
    edge_index = jax.random.randint(ks[2], (2, N_EDGES), 0, N_NODES)
    user_table = jax.random.normal(ks[3], (NUM_USERS, HIDDEN), dtype=jnp.float32) * 0.02
    item_table = jax.random.normal(ks[4], (NUM_ITEMS, HIDDEN), dtype=jnp.float32) * 0.02
    W1 = jax.random.normal(ks[5], (D, D), dtype=jnp.float32) * (1.0 / np.sqrt(D))
    b1 = jnp.zeros((D,), dtype=jnp.float32)
    W2 = jax.random.normal(ks[6], (D, D), dtype=jnp.float32) * (1.0 / np.sqrt(D))
    b2 = jnp.zeros((D,), dtype=jnp.float32)
    Wp = jax.random.normal(ks[7], (D, 1), dtype=jnp.float32) * (1.0 / np.sqrt(D))
    bp = jnp.zeros((1,), dtype=jnp.float32)
    return {
        'user_ids': user_ids, 'item_ids': item_ids, 'edge_index': edge_index,
        'user_table': user_table, 'item_table': item_table,
        'W1': W1, 'b1': b1, 'W2': W2, 'b2': b2, 'Wp': Wp, 'bp': bp,
    }


def _gcn_layer(x, src, dst, norm, W, b, n_nodes):
    h = x @ W
    msg = h[src] * norm[:, None]
    out = jax.ops.segment_sum(msg, dst, num_segments=n_nodes)
    return out + b


def reference(user_ids, item_ids, edge_index, user_table, item_table, W1, b1, W2, b2, Wp, bp):
    user_emb = jnp.take(user_table, user_ids, axis=0)
    item_emb = jnp.take(item_table, item_ids, axis=0)
    x = jnp.concatenate([user_emb, item_emb], axis=1)  # [N, 2*hidden]
    n_nodes = x.shape[0]
    # GCNConv: add self-loops, symmetric normalization
    loops = jnp.arange(n_nodes, dtype=edge_index.dtype)
    src = jnp.concatenate([edge_index[0], loops])
    dst = jnp.concatenate([edge_index[1], loops])
    deg = jax.ops.segment_sum(jnp.ones_like(dst, dtype=x.dtype), dst, num_segments=n_nodes)
    dinv = jnp.where(deg > 0, jax.lax.rsqrt(jnp.maximum(deg, 1e-12)), 0.0)
    norm = dinv[src] * dinv[dst]
    # layer 1 + relu (dropout p=0.0 -> identity)
    x = jax.nn.relu(_gcn_layer(x, src, dst, norm, W1, b1, n_nodes))
    # layer 2 + relu
    x = jax.nn.relu(_gcn_layer(x, src, dst, norm, W2, b2, n_nodes))
    ratings = (x @ Wp + bp).squeeze(-1)
    return ratings

if __name__ == "__main__":
    import jax
    _d = setup_inputs()
    print(jax.jit(kernel)(*tuple(_d.values())))

</pallas_src>

<mosaic_0001>
#map = affine_map<(d0, d1) -> (0, 0)>
module attributes {stable_mosaic.version = 14 : i64} {
  func.func @_msg_body(%arg0: i32, %arg1: i32, %arg2: memref<53248x32xf32, #tpu.memory_space<hbm>>, %arg3: memref<53248x32xf32, #tpu.memory_space<hbm>>, %arg4: memref<6272x128xi32, #tpu.memory_space<hbm>>, %arg5: memref<6272x128xi32, #tpu.memory_space<hbm>>, %arg6: memref<3328x32xf32, #tpu.memory_space<hbm>>, %arg7: memref<53248x32xf32, #tpu.memory_space<hbm>>, %arg8: memref<53248x32xf32, #tpu.memory_space<hbm>>, %arg9: memref<128xi32, #tpu.memory_space<vmem>>, %arg10: memref<128xi32, #tpu.memory_space<vmem>>, %arg11: memref<128x32xf32, #tpu.memory_space<vmem>>, %arg12: memref<53248x32xf32, #tpu.memory_space<vmem_shared>>, %arg13: memref<!tpu.dma_semaphore, #tpu.memory_space<semaphore_mem>>) attributes {dimension_semantics = [#tpu.dimension_semantics<core_parallel>, #tpu.dimension_semantics<subcore_parallel>], iteration_bounds = array<i64: 2, 16>, scalar_prefetch = 0 : i64, scratch_operands = 5 : i64, tpu.core_type = #tpu.core_type<sc_vector_subcore>, window_params = [{transform_indices = #map}, {transform_indices = #map}, {transform_indices = #map}, {transform_indices = #map}, {transform_indices = #map}, {transform_indices = #map}, {transform_indices = #map}]} {
    %mul3A = arith.constant 3328 : i32
    %mul3A_0 = arith.muli %arg1, %mul3A : i32
    "tpu.region"() ({
      %run_scoped3A = tpu.sem_alloc : memref<!tpu.dma_semaphore, #tpu.memory_space<semaphore_mem>>
      %dma_start3A = arith.constant 0 : i32
      %dma_start3A_8 = tpu.memref_slice %arg12[%mul3A_0, %dma_start3A] : memref<53248x32xf32, #tpu.memory_space<vmem_shared>> -> memref<3328x32xf32, #tpu.memory_space<vmem_shared>>
      tpu.enqueue_dma source(%arg6 : memref<3328x32xf32, #tpu.memory_space<hbm>>) target(%dma_start3A_8 : memref<3328x32xf32, #tpu.memory_space<vmem_shared>>) target_semaphore(%run_scoped3A : memref<!tpu.dma_semaphore, #tpu.memory_space<semaphore_mem>>)
      %dma_wait3A = arith.constant 0 : i32
      %dma_wait3A_9 = tpu.memref_slice %arg12[%mul3A_0, %dma_wait3A] : memref<53248x32xf32, #tpu.memory_space<vmem_shared>> -> memref<3328x32xf32, #tpu.memory_space<vmem_shared>>
      tpu.wait_dma2 semaphore(%run_scoped3A : memref<!tpu.dma_semaphore, #tpu.memory_space<semaphore_mem>>) src(%arg6 : memref<3328x32xf32, #tpu.memory_space<hbm>>) dst(%dma_wait3A_9 : memref<3328x32xf32, #tpu.memory_space<vmem_shared>>)
      tpu.yield
    }) : () -> ()
    %barrier3A = arith.constant 0 : index
    tpu.barrier barrier_id(%barrier3A)
    %eq3A = arith.constant 0 : i32
    %eq3A_1 = arith.cmpi eq, %arg0, %eq3A : i32
    %convert_element_type3A = arith.extui %eq3A_1 : i1 to i32
    %cond3A = arith.constant 0 : i32
    %cond3A_2 = arith.cmpi ne, %convert_element_type3A, %cond3A : i32
    scf.if %cond3A_2 {
      %scan3A = arith.constant 0 : i32
      %scan3A_8 = arith.constant 392 : i32
      %scan3A_9 = arith.addi %scan3A, %scan3A_8 : i32
      %scan3A_10 = arith.constant 1 : i32
      scf.for %scan3A_17 = %scan3A to %scan3A_9 step %scan3A_10  : i32 {
        %mul3A_18 = arith.constant 1 : i32
        %mul3A_19 = arith.muli %scan3A_17, %mul3A_18 : i32
        %add3A = arith.constant 0 : i32
        %add3A_20 = arith.addi %add3A, %mul3A_19 : i32
        %mul3A_21 = arith.constant 392 : i32
        %mul3A_22 = arith.muli %arg1, %mul3A_21 : i32
        %add3A_23 = arith.addi %mul3A_22, %add3A_20 : i32
        "tpu.region"() ({
          %run_scoped3A = tpu.sem_alloc : memref<!tpu.dma_semaphore, #tpu.memory_space<semaphore_mem>>
          %dma_start3A_28 = arith.constant 0 : i32
          %dma_start3A_29 = tpu.memref_slice %arg4[%add3A_23, %dma_start3A_28] : memref<6272x128xi32, #tpu.memory_space<hbm>> -> memref<1x128xi32, #tpu.memory_space<hbm>>
          %dma_start3A_30 = tpu.memref_squeeze %dma_start3A_29 : memref<1x128xi32, #tpu.memory_space<hbm>> -> memref<128xi32, #tpu.memory_space<hbm>>
          %dma_start3A_31 = arith.constant 0 : i32
          %dma_start3A_32 = tpu.memref_slice %arg4[%add3A_23, %dma_start3A_31] : memref<6272x128xi32, #tpu.memory_space<hbm>> -> memref<1x128xi32, #tpu.memory_space<hbm>>
          %dma_start3A_33 = tpu.memref_squeeze %dma_start3A_32 : memref<1x128xi32, #tpu.memory_space<hbm>> -> memref<128xi32, #tpu.memory_space<hbm>>
          tpu.enqueue_dma source(%dma_start3A_33 : memref<128xi32, #tpu.memory_space<hbm>>) target(%arg9 : memref<128xi32, #tpu.memory_space<vmem>>) target_semaphore(%run_scoped3A : memref<!tpu.dma_semaphore, #tpu.memory_space<semaphore_mem>>)
          %dma_wait3A_34 = arith.constant 0 : i32
          %dma_wait3A_35 = tpu.memref_slice %arg4[%add3A_23, %dma_wait3A_34] : memref<6272x128xi32, #tpu.memory_space<hbm>> -> memref<1x128xi32, #tpu.memory_space<hbm>>
          %dma_wait3A_36 = tpu.memref_squeeze %dma_wait3A_35 : memref<1x128xi32, #tpu.memory_space<hbm>> -> memref<128xi32, #tpu.memory_space<hbm>>
          %dma_wait3A_37 = arith.constant 0 : i32
          %dma_wait3A_38 = tpu.memref_slice %arg4[%add3A_23, %dma_wait3A_37] : memref<6272x128xi32, #tpu.memory_space<hbm>> -> memref<1x128xi32, #tpu.memory_space<hbm>>
          %dma_wait3A_39 = tpu.memref_squeeze %dma_wait3A_38 : memref<1x128xi32, #tpu.memory_space<hbm>> -> memref<128xi32, #tpu.memory_space<hbm>>
          tpu.wait_dma2 semaphore(%run_scoped3A : memref<!tpu.dma_semaphore, #tpu.memory_space<semaphore_mem>>) src(%dma_wait3A_39 : memref<128xi32, #tpu.memory_space<hbm>>) dst(%arg9 : memref<128xi32, #tpu.memory_space<vmem>>)
          tpu.yield
        }) : () -> ()
        "tpu.region"() ({
          %run_scoped3A = tpu.sem_alloc : memref<!tpu.dma_semaphore, #tpu.memory_space<semaphore_mem>>
          %dma_start3A_28 = arith.constant 0 : i32
          %dma_start3A_29 = tpu.memref_slice %arg5[%add3A_23, %dma_start3A_28] : memref<6272x128xi32, #tpu.memory_space<hbm>> -> memref<1x128xi32, #tpu.memory_space<hbm>>
          %dma_start3A_30 = tpu.memref_squeeze %dma_start3A_29 : memref<1x128xi32, #tpu.memory_space<hbm>> -> memref<128xi32, #tpu.memory_space<hbm>>
          %dma_start3A_31 = arith.constant 0 : i32
          %dma_start3A_32 = tpu.memref_slice %arg5[%add3A_23, %dma_start3A_31] : memref<6272x128xi32, #tpu.memory_space<hbm>> -> memref<1x128xi32, #tpu.memory_space<hbm>>
          %dma_start3A_33 = tpu.memref_squeeze %dma_start3A_32 : memref<1x128xi32, #tpu.memory_space<hbm>> -> memref<128xi32, #tpu.memory_space<hbm>>
          tpu.enqueue_dma source(%dma_start3A_33 : memref<128xi32, #tpu.memory_space<hbm>>) target(%arg10 : memref<128xi32, #tpu.memory_space<vmem>>) target_semaphore(%run_scoped3A : memref<!tpu.dma_semaphore, #tpu.memory_space<semaphore_mem>>)
          %dma_wait3A_34 = arith.constant 0 : i32
          %dma_wait3A_35 = tpu.memref_slice %arg5[%add3A_23, %dma_wait3A_34] : memref<6272x128xi32, #tpu.memory_space<hbm>> -> memref<1x128xi32, #tpu.memory_space<hbm>>
          %dma_wait3A_36 = tpu.memref_squeeze %dma_wait3A_35 : memref<1x128xi32, #tpu.memory_space<hbm>> -> memref<128xi32, #tpu.memory_space<hbm>>
          %dma_wait3A_37 = arith.constant 0 : i32
          %dma_wait3A_38 = tpu.memref_slice %arg5[%add3A_23, %dma_wait3A_37] : memref<6272x128xi32, #tpu.memory_space<hbm>> -> memref<1x128xi32, #tpu.memory_space<hbm>>
          %dma_wait3A_39 = tpu.memref_squeeze %dma_wait3A_38 : memref<1x128xi32, #tpu.memory_space<hbm>> -> memref<128xi32, #tpu.memory_space<hbm>>
          tpu.wait_dma2 semaphore(%run_scoped3A : memref<!tpu.dma_semaphore, #tpu.memory_space<semaphore_mem>>) src(%dma_wait3A_39 : memref<128xi32, #tpu.memory_space<hbm>>) dst(%arg10 : memref<128xi32, #tpu.memory_space<vmem>>)
          tpu.yield
        }) : () -> ()
        %dma_start3A = arith.constant 0 : i32
        %dma_start3A_24 = arith.constant 0 : i32
        %dma_start3A_25 = tpu.memref_slice %arg2[%dma_start3A, %dma_start3A_24] : memref<53248x32xf32, #tpu.memory_space<hbm>> -> memref<53248x32xf32, #tpu.memory_space<hbm>>
        tpu.enqueue_indirect_dma source(%dma_start3A_25 : memref<53248x32xf32, #tpu.memory_space<hbm>>) target(%arg11 : memref<128x32xf32, #tpu.memory_space<vmem>>) offsets(%arg9 : memref<128xi32, #tpu.memory_space<vmem>>) semaphore(%arg13 : memref<!tpu.dma_semaphore, #tpu.memory_space<semaphore_mem>>)
        %dma_wait3A = arith.constant 0 : i32
        %dma_wait3A_26 = arith.constant 0 : i32
        %dma_wait3A_27 = tpu.memref_slice %arg2[%dma_wait3A, %dma_wait3A_26] : memref<53248x32xf32, #tpu.memory_space<hbm>> -> memref<53248x32xf32, #tpu.memory_space<hbm>>
        tpu.wait_indirect_dma semaphore(%arg13 : memref<!tpu.dma_semaphore, #tpu.memory_space<semaphore_mem>>) src(%dma_wait3A_27 : memref<53248x32xf32, #tpu.memory_space<hbm>>) dst(%arg11 : memref<128x32xf32, #tpu.memory_space<vmem>>)
        "tpu.region"() ({
          %run_scoped3A = tpu.sem_alloc : memref<!tpu.dma_semaphore, #tpu.memory_space<semaphore_mem>>
          %dma_start3A_28 = arith.constant 0 : i32
          %dma_start3A_29 = arith.constant 0 : i32
          %dma_start3A_30 = tpu.memref_slice %arg12[%dma_start3A_28, %dma_start3A_29] : memref<53248x32xf32, #tpu.memory_space<vmem_shared>> -> memref<53248x32xf32, #tpu.memory_space<vmem_shared>>
          tpu.enqueue_indirect_dma source(%arg11 : memref<128x32xf32, #tpu.memory_space<vmem>>) target(%dma_start3A_30 : memref<53248x32xf32, #tpu.memory_space<vmem_shared>>) offsets(%arg10 : memref<128xi32, #tpu.memory_space<vmem>>) semaphore(%run_scoped3A : memref<!tpu.dma_semaphore, #tpu.memory_space<semaphore_mem>>) {add = true}
          %dma_wait3A_31 = arith.constant 0 : i32
          %dma_wait3A_32 = arith.constant 0 : i32
          %dma_wait3A_33 = tpu.memref_slice %arg12[%dma_wait3A_31, %dma_wait3A_32] : memref<53248x32xf32, #tpu.memory_space<vmem_shared>> -> memref<53248x32xf32, #tpu.memory_space<vmem_shared>>
          tpu.wait_indirect_dma semaphore(%run_scoped3A : memref<!tpu.dma_semaphore, #tpu.memory_space<semaphore_mem>>) src(%arg11 : memref<128x32xf32, #tpu.memory_space<vmem>>) dst(%dma_wait3A_33 : memref<53248x32xf32, #tpu.memory_space<vmem_shared>>)
          tpu.yield
        }) : () -> ()
      }
      %scan3A_11 = arith.constant 392 : i32
      %barrier3A_12 = arith.constant 0 : index
      tpu.barrier barrier_id(%barrier3A_12)
      %mul3A_13 = arith.constant 3328 : i32
      %mul3A_14 = arith.muli %arg1, %mul3A_13 : i32
      %mul3A_15 = arith.constant 3328 : i32
      %mul3A_16 = arith.muli %arg1, %mul3A_15 : i32
      "tpu.region"() ({
        %run_scoped3A = tpu.sem_alloc : memref<!tpu.dma_semaphore, #tpu.memory_space<semaphore_mem>>
        %dma_start3A = arith.constant 0 : i32
        %dma_start3A_17 = tpu.memref_slice %arg7[%mul3A_16, %dma_start3A] : memref<53248x32xf32, #tpu.memory_space<hbm>> -> memref<3328x32xf32, #tpu.memory_space<hbm>>
        %dma_start3A_18 = arith.constant 0 : i32
        %dma_start3A_19 = tpu.memref_slice %arg12[%mul3A_14, %dma_start3A_18] : memref<53248x32xf32, #tpu.memory_space<vmem_shared>> -> memref<3328x32xf32, #tpu.memory_space<vmem_shared>>
        tpu.enqueue_dma source(%dma_start3A_19 : memref<3328x32xf32, #tpu.memory_space<vmem_shared>>) target(%dma_start3A_17 : memref<3328x32xf32, #tpu.memory_space<hbm>>) target_semaphore(%run_scoped3A : memref<!tpu.dma_semaphore, #tpu.memory_space<semaphore_mem>>)
        %dma_wait3A = arith.constant 0 : i32
        %dma_wait3A_20 = tpu.memref_slice %arg7[%mul3A_16, %dma_wait3A] : memref<53248x32xf32, #tpu.memory_space<hbm>> -> memref<3328x32xf32, #tpu.memory_space<hbm>>
        %dma_wait3A_21 = arith.constant 0 : i32
        %dma_wait3A_22 = tpu.memref_slice %arg12[%mul3A_14, %dma_wait3A_21] : memref<53248x32xf32, #tpu.memory_space<vmem_shared>> -> memref<3328x32xf32, #tpu.memory_space<vmem_shared>>
        tpu.wait_dma2 semaphore(%run_scoped3A : memref<!tpu.dma_semaphore, #tpu.memory_space<semaphore_mem>>) src(%dma_wait3A_22 : memref<3328x32xf32, #tpu.memory_space<vmem_shared>>) dst(%dma_wait3A_20 : memref<3328x32xf32, #tpu.memory_space<hbm>>)
        tpu.yield
      }) : () -> ()
    } else {
    }
    %eq3A_3 = arith.constant 1 : i32
    %eq3A_4 = arith.cmpi eq, %arg0, %eq3A_3 : i32
    %convert_element_type3A_5 = arith.extui %eq3A_4 : i1 to i32
    %cond3A_6 = arith.constant 0 : i32
    %cond3A_7 = arith.cmpi ne, %convert_element_type3A_5, %cond3A_6 : i32
    scf.if %cond3A_7 {
      %scan3A = arith.constant 0 : i32
      %scan3A_8 = arith.constant 392 : i32
      %scan3A_9 = arith.addi %scan3A, %scan3A_8 : i32
      %scan3A_10 = arith.constant 1 : i32
      scf.for %scan3A_17 = %scan3A to %scan3A_9 step %scan3A_10  : i32 {
        %mul3A_18 = arith.constant 1 : i32
        %mul3A_19 = arith.muli %scan3A_17, %mul3A_18 : i32
        %add3A = arith.constant 0 : i32
        %add3A_20 = arith.addi %add3A, %mul3A_19 : i32
        %mul3A_21 = arith.constant 392 : i32
        %mul3A_22 = arith.muli %arg1, %mul3A_21 : i32
        %add3A_23 = arith.addi %mul3A_22, %add3A_20 : i32
        "tpu.region"() ({
          %run_scoped3A = tpu.sem_alloc : memref<!tpu.dma_semaphore, #tpu.memory_space<semaphore_mem>>
          %dma_start3A_28 = arith.constant 0 : i32
          %dma_start3A_29 = tpu.memref_slice %arg4[%add3A_23, %dma_start3A_28] : memref<6272x128xi32, #tpu.memory_space<hbm>> -> memref<1x128xi32, #tpu.memory_space<hbm>>
          %dma_start3A_30 = tpu.memref_squeeze %dma_start3A_29 : memref<1x128xi32, #tpu.memory_space<hbm>> -> memref<128xi32, #tpu.memory_space<hbm>>
          %dma_start3A_31 = arith.constant 0 : i32
          %dma_start3A_32 = tpu.memref_slice %arg4[%add3A_23, %dma_start3A_31] : memref<6272x128xi32, #tpu.memory_space<hbm>> -> memref<1x128xi32, #tpu.memory_space<hbm>>
          %dma_start3A_33 = tpu.memref_squeeze %dma_start3A_32 : memref<1x128xi32, #tpu.memory_space<hbm>> -> memref<128xi32, #tpu.memory_space<hbm>>
          tpu.enqueue_dma source(%dma_start3A_33 : memref<128xi32, #tpu.memory_space<hbm>>) target(%arg9 : memref<128xi32, #tpu.memory_space<vmem>>) target_semaphore(%run_scoped3A : memref<!tpu.dma_semaphore, #tpu.memory_space<semaphore_mem>>)
          %dma_wait3A_34 = arith.constant 0 : i32
          %dma_wait3A_35 = tpu.memref_slice %arg4[%add3A_23, %dma_wait3A_34] : memref<6272x128xi32, #tpu.memory_space<hbm>> -> memref<1x128xi32, #tpu.memory_space<hbm>>
          %dma_wait3A_36 = tpu.memref_squeeze %dma_wait3A_35 : memref<1x128xi32, #tpu.memory_space<hbm>> -> memref<128xi32, #tpu.memory_space<hbm>>
          %dma_wait3A_37 = arith.constant 0 : i32
          %dma_wait3A_38 = tpu.memref_slice %arg4[%add3A_23, %dma_wait3A_37] : memref<6272x128xi32, #tpu.memory_space<hbm>> -> memref<1x128xi32, #tpu.memory_space<hbm>>
          %dma_wait3A_39 = tpu.memref_squeeze %dma_wait3A_38 : memref<1x128xi32, #tpu.memory_space<hbm>> -> memref<128xi32, #tpu.memory_space<hbm>>
          tpu.wait_dma2 semaphore(%run_scoped3A : memref<!tpu.dma_semaphore, #tpu.memory_space<semaphore_mem>>) src(%dma_wait3A_39 : memref<128xi32, #tpu.memory_space<hbm>>) dst(%arg9 : memref<128xi32, #tpu.memory_space<vmem>>)
          tpu.yield
        }) : () -> ()
        "tpu.region"() ({
          %run_scoped3A = tpu.sem_alloc : memref<!tpu.dma_semaphore, #tpu.memory_space<semaphore_mem>>
          %dma_start3A_28 = arith.constant 0 : i32
          %dma_start3A_29 = tpu.memref_slice %arg5[%add3A_23, %dma_start3A_28] : memref<6272x128xi32, #tpu.memory_space<hbm>> -> memref<1x128xi32, #tpu.memory_space<hbm>>
          %dma_start3A_30 = tpu.memref_squeeze %dma_start3A_29 : memref<1x128xi32, #tpu.memory_space<hbm>> -> memref<128xi32, #tpu.memory_space<hbm>>
          %dma_start3A_31 = arith.constant 0 : i32
          %dma_start3A_32 = tpu.memref_slice %arg5[%add3A_23, %dma_start3A_31] : memref<6272x128xi32, #tpu.memory_space<hbm>> -> memref<1x128xi32, #tpu.memory_space<hbm>>
          %dma_start3A_33 = tpu.memref_squeeze %dma_start3A_32 : memref<1x128xi32, #tpu.memory_space<hbm>> -> memref<128xi32, #tpu.memory_space<hbm>>
          tpu.enqueue_dma source(%dma_start3A_33 : memref<128xi32, #tpu.memory_space<hbm>>) target(%arg10 : memref<128xi32, #tpu.memory_space<vmem>>) target_semaphore(%run_scoped3A : memref<!tpu.dma_semaphore, #tpu.memory_space<semaphore_mem>>)
          %dma_wait3A_34 = arith.constant 0 : i32
          %dma_wait3A_35 = tpu.memref_slice %arg5[%add3A_23, %dma_wait3A_34] : memref<6272x128xi32, #tpu.memory_space<hbm>> -> memref<1x128xi32, #tpu.memory_space<hbm>>
          %dma_wait3A_36 = tpu.memref_squeeze %dma_wait3A_35 : memref<1x128xi32, #tpu.memory_space<hbm>> -> memref<128xi32, #tpu.memory_space<hbm>>
          %dma_wait3A_37 = arith.constant 0 : i32
          %dma_wait3A_38 = tpu.memref_slice %arg5[%add3A_23, %dma_wait3A_37] : memref<6272x128xi32, #tpu.memory_space<hbm>> -> memref<1x128xi32, #tpu.memory_space<hbm>>
          %dma_wait3A_39 = tpu.memref_squeeze %dma_wait3A_38 : memref<1x128xi32, #tpu.memory_space<hbm>> -> memref<128xi32, #tpu.memory_space<hbm>>
          tpu.wait_dma2 semaphore(%run_scoped3A : memref<!tpu.dma_semaphore, #tpu.memory_space<semaphore_mem>>) src(%dma_wait3A_39 : memref<128xi32, #tpu.memory_space<hbm>>) dst(%arg10 : memref<128xi32, #tpu.memory_space<vmem>>)
          tpu.yield
        }) : () -> ()
        %dma_start3A = arith.constant 0 : i32
        %dma_start3A_24 = arith.constant 0 : i32
        %dma_start3A_25 = tpu.memref_slice %arg3[%dma_start3A, %dma_start3A_24] : memref<53248x32xf32, #tpu.memory_space<hbm>> -> memref<53248x32xf32, #tpu.memory_space<hbm>>
        tpu.enqueue_indirect_dma source(%dma_start3A_25 : memref<53248x32xf32, #tpu.memory_space<hbm>>) target(%arg11 : memref<128x32xf32, #tpu.memory_space<vmem>>) offsets(%arg9 : memref<128xi32, #tpu.memory_space<vmem>>) semaphore(%arg13 : memref<!tpu.dma_semaphore, #tpu.memory_space<semaphore_mem>>)
        %dma_wait3A = arith.constant 0 : i32
        %dma_wait3A_26 = arith.constant 0 : i32
        %dma_wait3A_27 = tpu.memref_slice %arg3[%dma_wait3A, %dma_wait3A_26] : memref<53248x32xf32, #tpu.memory_space<hbm>> -> memref<53248x32xf32, #tpu.memory_space<hbm>>
        tpu.wait_indirect_dma semaphore(%arg13 : memref<!tpu.dma_semaphore, #tpu.memory_space<semaphore_mem>>) src(%dma_wait3A_27 : memref<53248x32xf32, #tpu.memory_space<hbm>>) dst(%arg11 : memref<128x32xf32, #tpu.memory_space<vmem>>)
        "tpu.region"() ({
          %run_scoped3A = tpu.sem_alloc : memref<!tpu.dma_semaphore, #tpu.memory_space<semaphore_mem>>
          %dma_start3A_28 = arith.constant 0 : i32
          %dma_start3A_29 = arith.constant 0 : i32
          %dma_start3A_30 = tpu.memref_slice %arg12[%dma_start3A_28, %dma_start3A_29] : memref<53248x32xf32, #tpu.memory_space<vmem_shared>> -> memref<53248x32xf32, #tpu.memory_space<vmem_shared>>
          tpu.enqueue_indirect_dma source(%arg11 : memref<128x32xf32, #tpu.memory_space<vmem>>) target(%dma_start3A_30 : memref<53248x32xf32, #tpu.memory_space<vmem_shared>>) offsets(%arg10 : memref<128xi32, #tpu.memory_space<vmem>>) semaphore(%run_scoped3A : memref<!tpu.dma_semaphore, #tpu.memory_space<semaphore_mem>>) {add = true}
          %dma_wait3A_31 = arith.constant 0 : i32
          %dma_wait3A_32 = arith.constant 0 : i32
          %dma_wait3A_33 = tpu.memref_slice %arg12[%dma_wait3A_31, %dma_wait3A_32] : memref<53248x32xf32, #tpu.memory_space<vmem_shared>> -> memref<53248x32xf32, #tpu.memory_space<vmem_shared>>
          tpu.wait_indirect_dma semaphore(%run_scoped3A : memref<!tpu.dma_semaphore, #tpu.memory_space<semaphore_mem>>) src(%arg11 : memref<128x32xf32, #tpu.memory_space<vmem>>) dst(%dma_wait3A_33 : memref<53248x32xf32, #tpu.memory_space<vmem_shared>>)
          tpu.yield
        }) : () -> ()
      }
      %scan3A_11 = arith.constant 392 : i32
      %barrier3A_12 = arith.constant 0 : index
      tpu.barrier barrier_id(%barrier3A_12)
      %mul3A_13 = arith.constant 3328 : i32
      %mul3A_14 = arith.muli %arg1, %mul3A_13 : i32
      %mul3A_15 = arith.constant 3328 : i32
      %mul3A_16 = arith.muli %arg1, %mul3A_15 : i32
      "tpu.region"() ({
        %run_scoped3A = tpu.sem_alloc : memref<!tpu.dma_semaphore, #tpu.memory_space<semaphore_mem>>
        %dma_start3A = arith.constant 0 : i32
        %dma_start3A_17 = tpu.memref_slice %arg8[%mul3A_16, %dma_start3A] : memref<53248x32xf32, #tpu.memory_space<hbm>> -> memref<3328x32xf32, #tpu.memory_space<hbm>>
        %dma_start3A_18 = arith.constant 0 : i32
        %dma_start3A_19 = tpu.memref_slice %arg12[%mul3A_14, %dma_start3A_18] : memref<53248x32xf32, #tpu.memory_space<vmem_shared>> -> memref<3328x32xf32, #tpu.memory_space<vmem_shared>>
        tpu.enqueue_dma source(%dma_start3A_19 : memref<3328x32xf32, #tpu.memory_space<vmem_shared>>) target(%dma_start3A_17 : memref<3328x32xf32, #tpu.memory_space<hbm>>) target_semaphore(%run_scoped3A : memref<!tpu.dma_semaphore, #tpu.memory_space<semaphore_mem>>)
        %dma_wait3A = arith.constant 0 : i32
        %dma_wait3A_20 = tpu.memref_slice %arg8[%mul3A_16, %dma_wait3A] : memref<53248x32xf32, #tpu.memory_space<hbm>> -> memref<3328x32xf32, #tpu.memory_space<hbm>>
        %dma_wait3A_21 = arith.constant 0 : i32
        %dma_wait3A_22 = tpu.memref_slice %arg12[%mul3A_14, %dma_wait3A_21] : memref<53248x32xf32, #tpu.memory_space<vmem_shared>> -> memref<3328x32xf32, #tpu.memory_space<vmem_shared>>
        tpu.wait_dma2 semaphore(%run_scoped3A : memref<!tpu.dma_semaphore, #tpu.memory_space<semaphore_mem>>) src(%dma_wait3A_22 : memref<3328x32xf32, #tpu.memory_space<vmem_shared>>) dst(%dma_wait3A_20 : memref<3328x32xf32, #tpu.memory_space<hbm>>)
        tpu.yield
      }) : () -> ()
    } else {
    }
    return
  }
}

#map = affine_map<(d0, d1) -> (0, 0)>
#map1 = affine_map<(d0, d1) -> (0)>
module attributes {stable_mosaic.version = 14 : i64} {
  func.func @_embed_deg_body(%arg0: i32, %arg1: i32, %arg2: memref<1000000x32xf32, #tpu.memory_space<hbm>>, %arg3: memref<1000000x32xf32, #tpu.memory_space<hbm>>, %arg4: memref<416x128xi32, #tpu.memory_space<hbm>>, %arg5: memref<416x128xi32, #tpu.memory_space<hbm>>, %arg6: memref<6272x128xi32, #tpu.memory_space<hbm>>, %arg7: memref<3328xf32, #tpu.memory_space<hbm>>, %arg8: memref<128xf32, #tpu.memory_space<hbm>>, %arg9: memref<53248x32xf32, #tpu.memory_space<hbm>>, %arg10: memref<53248x32xf32, #tpu.memory_space<hbm>>, %arg11: memref<2x53248xf32, #tpu.memory_space<hbm>>, %arg12: memref<128xi32, #tpu.memory_space<vmem>>, %arg13: memref<128x32xf32, #tpu.memory_space<vmem>>, %arg14: memref<128xi32, #tpu.memory_space<vmem>>, %arg15: memref<128xf32, #tpu.memory_space<vmem>>, %arg16: memref<53248xf32, #tpu.memory_space<vmem_shared>>, %arg17: memref<!tpu.dma_semaphore, #tpu.memory_space<semaphore_mem>>) attributes {dimension_semantics = [#tpu.dimension_semantics<core_parallel>, #tpu.dimension_semantics<subcore_parallel>], iteration_bounds = array<i64: 2, 16>, scalar_prefetch = 0 : i64, scratch_operands = 6 : i64, tpu.core_type = #tpu.core_type<sc_vector_subcore>, window_params = [{transform_indices = #map}, {transform_indices = #map}, {transform_indices = #map}, {transform_indices = #map}, {transform_indices = #map}, {transform_indices = #map1}, {transform_indices = #map1}, {transform_indices = #map}, {transform_indices = #map}, {transform_indices = #map}]} {
    %mul3A = arith.constant 2 : i32
    %mul3A_0 = arith.muli %arg1, %mul3A : i32
    %add3A = arith.addi %mul3A_0, %arg0 : i32
    %mul3A_1 = arith.constant 3328 : i32
    %mul3A_2 = arith.muli %arg1, %mul3A_1 : i32
    "tpu.region"() ({
      %run_scoped3A = tpu.sem_alloc : memref<!tpu.dma_semaphore, #tpu.memory_space<semaphore_mem>>
      %dma_start3A = tpu.memref_slice %arg16[%mul3A_2] : memref<53248xf32, #tpu.memory_space<vmem_shared>> -> memref<3328xf32, #tpu.memory_space<vmem_shared>>
      tpu.enqueue_dma source(%arg7 : memref<3328xf32, #tpu.memory_space<hbm>>) target(%dma_start3A : memref<3328xf32, #tpu.memory_space<vmem_shared>>) target_semaphore(%run_scoped3A : memref<!tpu.dma_semaphore, #tpu.memory_space<semaphore_mem>>)
      %dma_wait3A = tpu.memref_slice %arg16[%mul3A_2] : memref<53248xf32, #tpu.memory_space<vmem_shared>> -> memref<3328xf32, #tpu.memory_space<vmem_shared>>
      tpu.wait_dma2 semaphore(%run_scoped3A : memref<!tpu.dma_semaphore, #tpu.memory_space<semaphore_mem>>) src(%arg7 : memref<3328xf32, #tpu.memory_space<hbm>>) dst(%dma_wait3A : memref<3328xf32, #tpu.memory_space<vmem_shared>>)
      tpu.yield
    }) : () -> ()
    "tpu.region"() ({
      %run_scoped3A = tpu.sem_alloc : memref<!tpu.dma_semaphore, #tpu.memory_space<semaphore_mem>>
      tpu.enqueue_dma source(%arg8 : memref<128xf32, #tpu.memory_space<hbm>>) target(%arg15 : memref<128xf32, #tpu.memory_space<vmem>>) target_semaphore(%run_scoped3A : memref<!tpu.dma_semaphore, #tpu.memory_space<semaphore_mem>>)
      tpu.wait_dma2 semaphore(%run_scoped3A : memref<!tpu.dma_semaphore, #tpu.memory_space<semaphore_mem>>) src(%arg8 : memref<128xf32, #tpu.memory_space<hbm>>) dst(%arg15 : memref<128xf32, #tpu.memory_space<vmem>>)
      tpu.yield
    }) : () -> ()
    %barrier3A = arith.constant 0 : index
    tpu.barrier barrier_id(%barrier3A)
    %scan3A = arith.constant 0 : i32
    %scan3A_3 = arith.constant 13 : i32
    %scan3A_4 = arith.addi %scan3A, %scan3A_3 : i32
    %scan3A_5 = arith.constant 1 : i32
    scf.for %scan3A_17 = %scan3A to %scan3A_4 step %scan3A_5  : i32 {
      %mul3A_18 = arith.constant 1 : i32
      %mul3A_19 = arith.muli %scan3A_17, %mul3A_18 : i32
      %add3A_20 = arith.constant 0 : i32
      %add3A_21 = arith.addi %add3A_20, %mul3A_19 : i32
      %mul3A_22 = arith.constant 13 : i32
      %mul3A_23 = arith.muli %add3A, %mul3A_22 : i32
      %add3A_24 = arith.addi %mul3A_23, %add3A_21 : i32
      "tpu.region"() ({
        %run_scoped3A = tpu.sem_alloc : memref<!tpu.dma_semaphore, #tpu.memory_space<semaphore_mem>>
        %dma_start3A_39 = arith.constant 0 : i32
        %dma_start3A_40 = tpu.memref_slice %arg4[%add3A_24, %dma_start3A_39] : memref<416x128xi32, #tpu.memory_space<hbm>> -> memref<1x128xi32, #tpu.memory_space<hbm>>
        %dma_start3A_41 = tpu.memref_squeeze %dma_start3A_40 : memref<1x128xi32, #tpu.memory_space<hbm>> -> memref<128xi32, #tpu.memory_space<hbm>>
        %dma_start3A_42 = arith.constant 0 : i32
        %dma_start3A_43 = tpu.memref_slice %arg4[%add3A_24, %dma_start3A_42] : memref<416x128xi32, #tpu.memory_space<hbm>> -> memref<1x128xi32, #tpu.memory_space<hbm>>
        %dma_start3A_44 = tpu.memref_squeeze %dma_start3A_43 : memref<1x128xi32, #tpu.memory_space<hbm>> -> memref<128xi32, #tpu.memory_space<hbm>>
        tpu.enqueue_dma source(%dma_start3A_44 : memref<128xi32, #tpu.memory_space<hbm>>) target(%arg12 : memref<128xi32, #tpu.memory_space<vmem>>) target_semaphore(%run_scoped3A : memref<!tpu.dma_semaphore, #tpu.memory_space<semaphore_mem>>)
        %dma_wait3A_45 = arith.constant 0 : i32
        %dma_wait3A_46 = tpu.memref_slice %arg4[%add3A_24, %dma_wait3A_45] : memref<416x128xi32, #tpu.memory_space<hbm>> -> memref<1x128xi32, #tpu.memory_space<hbm>>
        %dma_wait3A_47 = tpu.memref_squeeze %dma_wait3A_46 : memref<1x128xi32, #tpu.memory_space<hbm>> -> memref<128xi32, #tpu.memory_space<hbm>>
        %dma_wait3A_48 = arith.constant 0 : i32
        %dma_wait3A_49 = tpu.memref_slice %arg4[%add3A_24, %dma_wait3A_48] : memref<416x128xi32, #tpu.memory_space<hbm>> -> memref<1x128xi32, #tpu.memory_space<hbm>>
        %dma_wait3A_50 = tpu.memref_squeeze %dma_wait3A_49 : memref<1x128xi32, #tpu.memory_space<hbm>> -> memref<128xi32, #tpu.memory_space<hbm>>
        tpu.wait_dma2 semaphore(%run_scoped3A : memref<!tpu.dma_semaphore, #tpu.memory_space<semaphore_mem>>) src(%dma_wait3A_50 : memref<128xi32, #tpu.memory_space<hbm>>) dst(%arg12 : memref<128xi32, #tpu.memory_space<vmem>>)
        tpu.yield
      }) : () -> ()
      %dma_start3A = arith.constant 0 : i32
      %dma_start3A_25 = arith.constant 0 : i32
      %dma_start3A_26 = tpu.memref_slice %arg2[%dma_start3A, %dma_start3A_25] : memref<1000000x32xf32, #tpu.memory_space<hbm>> -> memref<1000000x32xf32, #tpu.memory_space<hbm>>
      tpu.enqueue_indirect_dma source(%dma_start3A_26 : memref<1000000x32xf32, #tpu.memory_space<hbm>>) target(%arg13 : memref<128x32xf32, #tpu.memory_space<vmem>>) offsets(%arg12 : memref<128xi32, #tpu.memory_space<vmem>>) semaphore(%arg17 : memref<!tpu.dma_semaphore, #tpu.memory_space<semaphore_mem>>)
      %dma_wait3A = arith.constant 0 : i32
      %dma_wait3A_27 = arith.constant 0 : i32
      %dma_wait3A_28 = tpu.memref_slice %arg2[%dma_wait3A, %dma_wait3A_27] : memref<1000000x32xf32, #tpu.memory_space<hbm>> -> memref<1000000x32xf32, #tpu.memory_space<hbm>>
      tpu.wait_indirect_dma semaphore(%arg17 : memref<!tpu.dma_semaphore, #tpu.memory_space<semaphore_mem>>) src(%dma_wait3A_28 : memref<1000000x32xf32, #tpu.memory_space<hbm>>) dst(%arg13 : memref<128x32xf32, #tpu.memory_space<vmem>>)
      %mul3A_29 = arith.constant 128 : i32
      %mul3A_30 = arith.muli %add3A_24, %mul3A_29 : i32
      "tpu.region"() ({
        %run_scoped3A = tpu.sem_alloc : memref<!tpu.dma_semaphore, #tpu.memory_space<semaphore_mem>>
        %dma_start3A_39 = arith.constant 0 : i32
        %dma_start3A_40 = tpu.memref_slice %arg9[%mul3A_30, %dma_start3A_39] : memref<53248x32xf32, #tpu.memory_space<hbm>> -> memref<128x32xf32, #tpu.memory_space<hbm>>
        %dma_start3A_41 = arith.constant 0 : i32
        %dma_start3A_42 = tpu.memref_slice %arg9[%mul3A_30, %dma_start3A_41] : memref<53248x32xf32, #tpu.memory_space<hbm>> -> memref<128x32xf32, #tpu.memory_space<hbm>>
        tpu.enqueue_dma source(%arg13 : memref<128x32xf32, #tpu.memory_space<vmem>>) target(%dma_start3A_42 : memref<128x32xf32, #tpu.memory_space<hbm>>) target_semaphore(%run_scoped3A : memref<!tpu.dma_semaphore, #tpu.memory_space<semaphore_mem>>)
        %dma_wait3A_43 = arith.constant 0 : i32
        %dma_wait3A_44 = tpu.memref_slice %arg9[%mul3A_30, %dma_wait3A_43] : memref<53248x32xf32, #tpu.memory_space<hbm>> -> memref<128x32xf32, #tpu.memory_space<hbm>>
        %dma_wait3A_45 = arith.constant 0 : i32
        %dma_wait3A_46 = tpu.memref_slice %arg9[%mul3A_30, %dma_wait3A_45] : memref<53248x32xf32, #tpu.memory_space<hbm>> -> memref<128x32xf32, #tpu.memory_space<hbm>>
        tpu.wait_dma2 semaphore(%run_scoped3A : memref<!tpu.dma_semaphore, #tpu.memory_space<semaphore_mem>>) src(%arg13 : memref<128x32xf32, #tpu.memory_space<vmem>>) dst(%dma_wait3A_46 : memref<128x32xf32, #tpu.memory_space<hbm>>)
        tpu.yield
      }) : () -> ()
      "tpu.region"() ({
        %run_scoped3A = tpu.sem_alloc : memref<!tpu.dma_semaphore, #tpu.memory_space<semaphore_mem>>
        %dma_start3A_39 = arith.constant 0 : i32
        %dma_start3A_40 = tpu.memref_slice %arg5[%add3A_24, %dma_start3A_39] : memref<416x128xi32, #tpu.memory_space<hbm>> -> memref<1x128xi32, #tpu.memory_space<hbm>>
        %dma_start3A_41 = tpu.memref_squeeze %dma_start3A_40 : memref<1x128xi32, #tpu.memory_space<hbm>> -> memref<128xi32, #tpu.memory_space<hbm>>
        %dma_start3A_42 = arith.constant 0 : i32
        %dma_start3A_43 = tpu.memref_slice %arg5[%add3A_24, %dma_start3A_42] : memref<416x128xi32, #tpu.memory_space<hbm>> -> memref<1x128xi32, #tpu.memory_space<hbm>>
        %dma_start3A_44 = tpu.memref_squeeze %dma_start3A_43 : memref<1x128xi32, #tpu.memory_space<hbm>> -> memref<128xi32, #tpu.memory_space<hbm>>
        tpu.enqueue_dma source(%dma_start3A_44 : memref<128xi32, #tpu.memory_space<hbm>>) target(%arg12 : memref<128xi32, #tpu.memory_space<vmem>>) target_semaphore(%run_scoped3A : memref<!tpu.dma_semaphore, #tpu.memory_space<semaphore_mem>>)
        %dma_wait3A_45 = arith.constant 0 : i32
        %dma_wait3A_46 = tpu.memref_slice %arg5[%add3A_24, %dma_wait3A_45] : memref<416x128xi32, #tpu.memory_space<hbm>> -> memref<1x128xi32, #tpu.memory_space<hbm>>
        %dma_wait3A_47 = tpu.memref_squeeze %dma_wait3A_46 : memref<1x128xi32, #tpu.memory_space<hbm>> -> memref<128xi32, #tpu.memory_space<hbm>>
        %dma_wait3A_48 = arith.constant 0 : i32
        %dma_wait3A_49 = tpu.memref_slice %arg5[%add3A_24, %dma_wait3A_48] : memref<416x128xi32, #tpu.memory_space<hbm>> -> memref<1x128xi32, #tpu.memory_space<hbm>>
        %dma_wait3A_50 = tpu.memref_squeeze %dma_wait3A_49 : memref<1x128xi32, #tpu.memory_space<hbm>> -> memref<128xi32, #tpu.memory_space<hbm>>
        tpu.wait_dma2 semaphore(%run_scoped3A : memref<!tpu.dma_semaphore, #tpu.memory_space<semaphore_mem>>) src(%dma_wait3A_50 : memref<128xi32, #tpu.memory_space<hbm>>) dst(%arg12 : memref<128xi32, #tpu.memory_space<vmem>>)
        tpu.yield
      }) : () -> ()
      %dma_start3A_31 = arith.constant 0 : i32
      %dma_start3A_32 = arith.constant 0 : i32
      %dma_start3A_33 = tpu.memref_slice %arg3[%dma_start3A_31, %dma_start3A_32] : memref<1000000x32xf32, #tpu.memory_space<hbm>> -> memref<1000000x32xf32, #tpu.memory_space<hbm>>
      tpu.enqueue_indirect_dma source(%dma_start3A_33 : memref<1000000x32xf32, #tpu.memory_space<hbm>>) target(%arg13 : memref<128x32xf32, #tpu.memory_space<vmem>>) offsets(%arg12 : memref<128xi32, #tpu.memory_space<vmem>>) semaphore(%arg17 : memref<!tpu.dma_semaphore, #tpu.memory_space<semaphore_mem>>)
      %dma_wait3A_34 = arith.constant 0 : i32
      %dma_wait3A_35 = arith.constant 0 : i32
      %dma_wait3A_36 = tpu.memref_slice %arg3[%dma_wait3A_34, %dma_wait3A_35] : memref<1000000x32xf32, #tpu.memory_space<hbm>> -> memref<1000000x32xf32, #tpu.memory_space<hbm>>
      tpu.wait_indirect_dma semaphore(%arg17 : memref<!tpu.dma_semaphore, #tpu.memory_space<semaphore_mem>>) src(%dma_wait3A_36 : memref<1000000x32xf32, #tpu.memory_space<hbm>>) dst(%arg13 : memref<128x32xf32, #tpu.memory_space<vmem>>)
      %mul3A_37 = arith.constant 128 : i32
      %mul3A_38 = arith.muli %add3A_24, %mul3A_37 : i32
      "tpu.region"() ({
        %run_scoped3A = tpu.sem_alloc : memref<!tpu.dma_semaphore, #tpu.memory_space<semaphore_mem>>
        %dma_start3A_39 = arith.constant 0 : i32
        %dma_start3A_40 = tpu.memref_slice %arg10[%mul3A_38, %dma_start3A_39] : memref<53248x32xf32, #tpu.memory_space<hbm>> -> memref<128x32xf32, #tpu.memory_space<hbm>>
        %dma_start3A_41 = arith.constant 0 : i32
        %dma_start3A_42 = tpu.memref_slice %arg10[%mul3A_38, %dma_start3A_41] : memref<53248x32xf32, #tpu.memory_space<hbm>> -> memref<128x32xf32, #tpu.memory_space<hbm>>
        tpu.enqueue_dma source(%arg13 : memref<128x32xf32, #tpu.memory_space<vmem>>) target(%dma_start3A_42 : memref<128x32xf32, #tpu.memory_space<hbm>>) target_semaphore(%run_scoped3A : memref<!tpu.dma_semaphore, #tpu.memory_space<semaphore_mem>>)
        %dma_wait3A_43 = arith.constant 0 : i32
        %dma_wait3A_44 = tpu.memref_slice %arg10[%mul3A_38, %dma_wait3A_43] : memref<53248x32xf32, #tpu.memory_space<hbm>> -> memref<128x32xf32, #tpu.memory_space<hbm>>
        %dma_wait3A_45 = arith.constant 0 : i32
        %dma_wait3A_46 = tpu.memref_slice %arg10[%mul3A_38, %dma_wait3A_45] : memref<53248x32xf32, #tpu.memory_space<hbm>> -> memref<128x32xf32, #tpu.memory_space<hbm>>
        tpu.wait_dma2 semaphore(%run_scoped3A : memref<!tpu.dma_semaphore, #tpu.memory_space<semaphore_mem>>) src(%arg13 : memref<128x32xf32, #tpu.memory_space<vmem>>) dst(%dma_wait3A_46 : memref<128x32xf32, #tpu.memory_space<hbm>>)
        tpu.yield
      }) : () -> ()
    }
    %scan3A_6 = arith.constant 13 : i32
    %scan3A_7 = arith.constant 0 : i32
    %scan3A_8 = arith.constant 196 : i32
    %scan3A_9 = arith.addi %scan3A_7, %scan3A_8 : i32
    %scan3A_10 = arith.constant 1 : i32
    scf.for %scan3A_17 = %scan3A_7 to %scan3A_9 step %scan3A_10  : i32 {
      %mul3A_18 = arith.constant 1 : i32
      %mul3A_19 = arith.muli %scan3A_17, %mul3A_18 : i32
      %add3A_20 = arith.constant 0 : i32
      %add3A_21 = arith.addi %add3A_20, %mul3A_19 : i32
      %mul3A_22 = arith.constant 196 : i32
      %mul3A_23 = arith.muli %add3A, %mul3A_22 : i32
      %add3A_24 = arith.addi %mul3A_23, %add3A_21 : i32
      "tpu.region"() ({
        %run_scoped3A = tpu.sem_alloc : memref<!tpu.dma_semaphore, #tpu.memory_space<semaphore_mem>>
        %dma_start3A = arith.constant 0 : i32
        %dma_start3A_25 = tpu.memref_slice %arg6[%add3A_24, %dma_start3A] : memref<6272x128xi32, #tpu.memory_space<hbm>> -> memref<1x128xi32, #tpu.memory_space<hbm>>
        %dma_start3A_26 = tpu.memref_squeeze %dma_start3A_25 : memref<1x128xi32, #tpu.memory_space<hbm>> -> memref<128xi32, #tpu.memory_space<hbm>>
        %dma_start3A_27 = arith.constant 0 : i32
        %dma_start3A_28 = tpu.memref_slice %arg6[%add3A_24, %dma_start3A_27] : memref<6272x128xi32, #tpu.memory_space<hbm>> -> memref<1x128xi32, #tpu.memory_space<hbm>>
        %dma_start3A_29 = tpu.memref_squeeze %dma_start3A_28 : memref<1x128xi32, #tpu.memory_space<hbm>> -> memref<128xi32, #tpu.memory_space<hbm>>
        tpu.enqueue_dma source(%dma_start3A_29 : memref<128xi32, #tpu.memory_space<hbm>>) target(%arg14 : memref<128xi32, #tpu.memory_space<vmem>>) target_semaphore(%run_scoped3A : memref<!tpu.dma_semaphore, #tpu.memory_space<semaphore_mem>>)
        %dma_wait3A = arith.constant 0 : i32
        %dma_wait3A_30 = tpu.memref_slice %arg6[%add3A_24, %dma_wait3A] : memref<6272x128xi32, #tpu.memory_space<hbm>> -> memref<1x128xi32, #tpu.memory_space<hbm>>
        %dma_wait3A_31 = tpu.memref_squeeze %dma_wait3A_30 : memref<1x128xi32, #tpu.memory_space<hbm>> -> memref<128xi32, #tpu.memory_space<hbm>>
        %dma_wait3A_32 = arith.constant 0 : i32
        %dma_wait3A_33 = tpu.memref_slice %arg6[%add3A_24, %dma_wait3A_32] : memref<6272x128xi32, #tpu.memory_space<hbm>> -> memref<1x128xi32, #tpu.memory_space<hbm>>
        %dma_wait3A_34 = tpu.memref_squeeze %dma_wait3A_33 : memref<1x128xi32, #tpu.memory_space<hbm>> -> memref<128xi32, #tpu.memory_space<hbm>>
        tpu.wait_dma2 semaphore(%run_scoped3A : memref<!tpu.dma_semaphore, #tpu.memory_space<semaphore_mem>>) src(%dma_wait3A_34 : memref<128xi32, #tpu.memory_space<hbm>>) dst(%arg14 : memref<128xi32, #tpu.memory_space<vmem>>)
        tpu.yield
      }) : () -> ()
      "tpu.region"() ({
        %run_scoped3A = tpu.sem_alloc : memref<!tpu.dma_semaphore, #tpu.memory_space<semaphore_mem>>
        %dma_start3A = arith.constant 0 : i32
        %dma_start3A_25 = tpu.memref_slice %arg16[%dma_start3A] : memref<53248xf32, #tpu.memory_space<vmem_shared>> -> memref<53248xf32, #tpu.memory_space<vmem_shared>>
        tpu.enqueue_indirect_dma source(%arg15 : memref<128xf32, #tpu.memory_space<vmem>>) target(%dma_start3A_25 : memref<53248xf32, #tpu.memory_space<vmem_shared>>) offsets(%arg14 : memref<128xi32, #tpu.memory_space<vmem>>) semaphore(%run_scoped3A : memref<!tpu.dma_semaphore, #tpu.memory_space<semaphore_mem>>) {add = true}
        %dma_wait3A = arith.constant 0 : i32
        %dma_wait3A_26 = tpu.memref_slice %arg16[%dma_wait3A] : memref<53248xf32, #tpu.memory_space<vmem_shared>> -> memref<53248xf32, #tpu.memory_space<vmem_shared>>
        tpu.wait_indirect_dma semaphore(%run_scoped3A : memref<!tpu.dma_semaphore, #tpu.memory_space<semaphore_mem>>) src(%arg15 : memref<128xf32, #tpu.memory_space<vmem>>) dst(%dma_wait3A_26 : memref<53248xf32, #tpu.memory_space<vmem_shared>>)
        tpu.yield
      }) : () -> ()
    }
    %scan3A_11 = arith.constant 196 : i32
    %barrier3A_12 = arith.constant 0 : index
    tpu.barrier barrier_id(%barrier3A_12)
    %mul3A_13 = arith.constant 3328 : i32
    %mul3A_14 = arith.muli %arg1, %mul3A_13 : i32
    %mul3A_15 = arith.constant 3328 : i32
    %mul3A_16 = arith.muli %arg1, %mul3A_15 : i32
    "tpu.region"() ({
      %run_scoped3A = tpu.sem_alloc : memref<!tpu.dma_semaphore, #tpu.memory_space<semaphore_mem>>
      %dma_start3A = tpu.memref_slice %arg11[%arg0, %mul3A_16] : memref<2x53248xf32, #tpu.memory_space<hbm>> -> memref<1x3328xf32, #tpu.memory_space<hbm>>
      %dma_start3A_17 = tpu.memref_squeeze %dma_start3A : memref<1x3328xf32, #tpu.memory_space<hbm>> -> memref<3328xf32, #tpu.memory_space<hbm>>
      %dma_start3A_18 = tpu.memref_slice %arg16[%mul3A_14] : memref<53248xf32, #tpu.memory_space<vmem_shared>> -> memref<3328xf32, #tpu.memory_space<vmem_shared>>
      tpu.enqueue_dma source(%dma_start3A_18 : memref<3328xf32, #tpu.memory_space<vmem_shared>>) target(%dma_start3A_17 : memref<3328xf32, #tpu.memory_space<hbm>>) target_semaphore(%run_scoped3A : memref<!tpu.dma_semaphore, #tpu.memory_space<semaphore_mem>>)
      %dma_wait3A = tpu.memref_slice %arg11[%arg0, %mul3A_16] : memref<2x53248xf32, #tpu.memory_space<hbm>> -> memref<1x3328xf32, #tpu.memory_space<hbm>>
      %dma_wait3A_19 = tpu.memref_squeeze %dma_wait3A : memref<1x3328xf32, #tpu.memory_space<hbm>> -> memref<3328xf32, #tpu.memory_space<hbm>>
      %dma_wait3A_20 = tpu.memref_slice %arg16[%mul3A_14] : memref<53248xf32, #tpu.memory_space<vmem_shared>> -> memref<3328xf32, #tpu.memory_space<vmem_shared>>
      tpu.wait_dma2 semaphore(%run_scoped3A : memref<!tpu.dma_semaphore, #tpu.memory_space<semaphore_mem>>) src(%dma_wait3A_20 : memref<3328xf32, #tpu.memory_space<vmem_shared>>) dst(%dma_wait3A_19 : memref<3328xf32, #tpu.memory_space<hbm>>)
      tpu.yield
    }) : () -> ()
    return
  }
}

#map = affine_map<(d0, d1) -> (0, 0)>
module attributes {stable_mosaic.version = 14 : i64} {
  func.func @_msg_body(%arg0: i32, %arg1: i32, %arg2: memref<53248x32xf32, #tpu.memory_space<hbm>>, %arg3: memref<53248x32xf32, #tpu.memory_space<hbm>>, %arg4: memref<6272x128xi32, #tpu.memory_space<hbm>>, %arg5: memref<6272x128xi32, #tpu.memory_space<hbm>>, %arg6: memref<3328x32xf32, #tpu.memory_space<hbm>>, %arg7: memref<53248x32xf32, #tpu.memory_space<hbm>>, %arg8: memref<53248x32xf32, #tpu.memory_space<hbm>>, %arg9: memref<128xi32, #tpu.memory_space<vmem>>, %arg10: memref<128xi32, #tpu.memory_space<vmem>>, %arg11: memref<128x32xf32, #tpu.memory_space<vmem>>, %arg12: memref<53248x32xf32, #tpu.memory_space<vmem_shared>>, %arg13: memref<!tpu.dma_semaphore, #tpu.memory_space<semaphore_mem>>) attributes {dimension_semantics = [#tpu.dimension_semantics<core_parallel>, #tpu.dimension_semantics<subcore_parallel>], iteration_bounds = array<i64: 2, 16>, scalar_prefetch = 0 : i64, scratch_operands = 5 : i64, tpu.core_type = #tpu.core_type<sc_vector_subcore>, window_params = [{transform_indices = #map}, {transform_indices = #map}, {transform_indices = #map}, {transform_indices = #map}, {transform_indices = #map}, {transform_indices = #map}, {transform_indices = #map}]} {
    %mul3A = arith.constant 3328 : i32
    %mul3A_0 = arith.muli %arg1, %mul3A : i32
    "tpu.region"() ({
      %run_scoped3A = tpu.sem_alloc : memref<!tpu.dma_semaphore, #tpu.memory_space<semaphore_mem>>
      %dma_start3A = arith.constant 0 : i32
      %dma_start3A_8 = tpu.memref_slice %arg12[%mul3A_0, %dma_start3A] : memref<53248x32xf32, #tpu.memory_space<vmem_shared>> -> memref<3328x32xf32, #tpu.memory_space<vmem_shared>>
      tpu.enqueue_dma source(%arg6 : memref<3328x32xf32, #tpu.memory_space<hbm>>) target(%dma_start3A_8 : memref<3328x32xf32, #tpu.memory_space<vmem_shared>>) target_semaphore(%run_scoped3A : memref<!tpu.dma_semaphore, #tpu.memory_space<semaphore_mem>>)
      %dma_wait3A = arith.constant 0 : i32
      %dma_wait3A_9 = tpu.memref_slice %arg12[%mul3A_0, %dma_wait3A] : memref<53248x32xf32, #tpu.memory_space<vmem_shared>> -> memref<3328x32xf32, #tpu.memory_space<vmem_shared>>
      tpu.wait_dma2 semaphore(%run_scoped3A : memref<!tpu.dma_semaphore, #tpu.memory_space<semaphore_mem>>) src(%arg6 : memref<3328x32xf32, #tpu.memory_space<hbm>>) dst(%dma_wait3A_9 : memref<3328x32xf32, #tpu.memory_space<vmem_shared>>)
      tpu.yield
    }) : () -> ()
    %barrier3A = arith.constant 0 : index
    tpu.barrier barrier_id(%barrier3A)
    %eq3A = arith.constant 0 : i32
    %eq3A_1 = arith.cmpi eq, %arg0, %eq3A : i32
    %convert_element_type3A = arith.extui %eq3A_1 : i1 to i32
    %cond3A = arith.constant 0 : i32
    %cond3A_2 = arith.cmpi ne, %convert_element_type3A, %cond3A : i32
    scf.if %cond3A_2 {
      %scan3A = arith.constant 0 : i32
      %scan3A_8 = arith.constant 392 : i32
      %scan3A_9 = arith.addi %scan3A, %scan3A_8 : i32
      %scan3A_10 = arith.constant 1 : i32
      scf.for %scan3A_17 = %scan3A to %scan3A_9 step %scan3A_10  : i32 {
        %mul3A_18 = arith.constant 1 : i32
        %mul3A_19 = arith.muli %scan3A_17, %mul3A_18 : i32
        %add3A = arith.constant 0 : i32
        %add3A_20 = arith.addi %add3A, %mul3A_19 : i32
        %mul3A_21 = arith.constant 392 : i32
        %mul3A_22 = arith.muli %arg1, %mul3A_21 : i32
        %add3A_23 = arith.addi %mul3A_22, %add3A_20 : i32
        "tpu.region"() ({
          %run_scoped3A = tpu.sem_alloc : memref<!tpu.dma_semaphore, #tpu.memory_space<semaphore_mem>>
          %dma_start3A_28 = arith.constant 0 : i32
          %dma_start3A_29 = tpu.memref_slice %arg4[%add3A_23, %dma_start3A_28] : memref<6272x128xi32, #tpu.memory_space<hbm>> -> memref<1x128xi32, #tpu.memory_space<hbm>>
          %dma_start3A_30 = tpu.memref_squeeze %dma_start3A_29 : memref<1x128xi32, #tpu.memory_space<hbm>> -> memref<128xi32, #tpu.memory_space<hbm>>
          %dma_start3A_31 = arith.constant 0 : i32
          %dma_start3A_32 = tpu.memref_slice %arg4[%add3A_23, %dma_start3A_31] : memref<6272x128xi32, #tpu.memory_space<hbm>> -> memref<1x128xi32, #tpu.memory_space<hbm>>
          %dma_start3A_33 = tpu.memref_squeeze %dma_start3A_32 : memref<1x128xi32, #tpu.memory_space<hbm>> -> memref<128xi32, #tpu.memory_space<hbm>>
          tpu.enqueue_dma source(%dma_start3A_33 : memref<128xi32, #tpu.memory_space<hbm>>) target(%arg9 : memref<128xi32, #tpu.memory_space<vmem>>) target_semaphore(%run_scoped3A : memref<!tpu.dma_semaphore, #tpu.memory_space<semaphore_mem>>)
          %dma_wait3A_34 = arith.constant 0 : i32
          %dma_wait3A_35 = tpu.memref_slice %arg4[%add3A_23, %dma_wait3A_34] : memref<6272x128xi32, #tpu.memory_space<hbm>> -> memref<1x128xi32, #tpu.memory_space<hbm>>
          %dma_wait3A_36 = tpu.memref_squeeze %dma_wait3A_35 : memref<1x128xi32, #tpu.memory_space<hbm>> -> memref<128xi32, #tpu.memory_space<hbm>>
          %dma_wait3A_37 = arith.constant 0 : i32
          %dma_wait3A_38 = tpu.memref_slice %arg4[%add3A_23, %dma_wait3A_37] : memref<6272x128xi32, #tpu.memory_space<hbm>> -> memref<1x128xi32, #tpu.memory_space<hbm>>
          %dma_wait3A_39 = tpu.memref_squeeze %dma_wait3A_38 : memref<1x128xi32, #tpu.memory_space<hbm>> -> memref<128xi32, #tpu.memory_space<hbm>>
          tpu.wait_dma2 semaphore(%run_scoped3A : memref<!tpu.dma_semaphore, #tpu.memory_space<semaphore_mem>>) src(%dma_wait3A_39 : memref<128xi32, #tpu.memory_space<hbm>>) dst(%arg9 : memref<128xi32, #tpu.memory_space<vmem>>)
          tpu.yield
        }) : () -> ()
        "tpu.region"() ({
          %run_scoped3A = tpu.sem_alloc : memref<!tpu.dma_semaphore, #tpu.memory_space<semaphore_mem>>
          %dma_start3A_28 = arith.constant 0 : i32
          %dma_start3A_29 = tpu.memref_slice %arg5[%add3A_23, %dma_start3A_28] : memref<6272x128xi32, #tpu.memory_space<hbm>> -> memref<1x128xi32, #tpu.memory_space<hbm>>
          %dma_start3A_30 = tpu.memref_squeeze %dma_start3A_29 : memref<1x128xi32, #tpu.memory_space<hbm>> -> memref<128xi32, #tpu.memory_space<hbm>>
          %dma_start3A_31 = arith.constant 0 : i32
          %dma_start3A_32 = tpu.memref_slice %arg5[%add3A_23, %dma_start3A_31] : memref<6272x128xi32, #tpu.memory_space<hbm>> -> memref<1x128xi32, #tpu.memory_space<hbm>>
          %dma_start3A_33 = tpu.memref_squeeze %dma_start3A_32 : memref<1x128xi32, #tpu.memory_space<hbm>> -> memref<128xi32, #tpu.memory_space<hbm>>
          tpu.enqueue_dma source(%dma_start3A_33 : memref<128xi32, #tpu.memory_space<hbm>>) target(%arg10 : memref<128xi32, #tpu.memory_space<vmem>>) target_semaphore(%run_scoped3A : memref<!tpu.dma_semaphore, #tpu.memory_space<semaphore_mem>>)
          %dma_wait3A_34 = arith.constant 0 : i32
          %dma_wait3A_35 = tpu.memref_slice %arg5[%add3A_23, %dma_wait3A_34] : memref<6272x128xi32, #tpu.memory_space<hbm>> -> memref<1x128xi32, #tpu.memory_space<hbm>>
          %dma_wait3A_36 = tpu.memref_squeeze %dma_wait3A_35 : memref<1x128xi32, #tpu.memory_space<hbm>> -> memref<128xi32, #tpu.memory_space<hbm>>
          %dma_wait3A_37 = arith.constant 0 : i32
          %dma_wait3A_38 = tpu.memref_slice %arg5[%add3A_23, %dma_wait3A_37] : memref<6272x128xi32, #tpu.memory_space<hbm>> -> memref<1x128xi32, #tpu.memory_space<hbm>>
          %dma_wait3A_39 = tpu.memref_squeeze %dma_wait3A_38 : memref<1x128xi32, #tpu.memory_space<hbm>> -> memref<128xi32, #tpu.memory_space<hbm>>
          tpu.wait_dma2 semaphore(%run_scoped3A : memref<!tpu.dma_semaphore, #tpu.memory_space<semaphore_mem>>) src(%dma_wait3A_39 : memref<128xi32, #tpu.memory_space<hbm>>) dst(%arg10 : memref<128xi32, #tpu.memory_space<vmem>>)
          tpu.yield
        }) : () -> ()
        %dma_start3A = arith.constant 0 : i32
        %dma_start3A_24 = arith.constant 0 : i32
        %dma_start3A_25 = tpu.memref_slice %arg2[%dma_start3A, %dma_start3A_24] : memref<53248x32xf32, #tpu.memory_space<hbm>> -> memref<53248x32xf32, #tpu.memory_space<hbm>>
        tpu.enqueue_indirect_dma source(%dma_start3A_25 : memref<53248x32xf32, #tpu.memory_space<hbm>>) target(%arg11 : memref<128x32xf32, #tpu.memory_space<vmem>>) offsets(%arg9 : memref<128xi32, #tpu.memory_space<vmem>>) semaphore(%arg13 : memref<!tpu.dma_semaphore, #tpu.memory_space<semaphore_mem>>)
        %dma_wait3A = arith.constant 0 : i32
        %dma_wait3A_26 = arith.constant 0 : i32
        %dma_wait3A_27 = tpu.memref_slice %arg2[%dma_wait3A, %dma_wait3A_26] : memref<53248x32xf32, #tpu.memory_space<hbm>> -> memref<53248x32xf32, #tpu.memory_space<hbm>>
        tpu.wait_indirect_dma semaphore(%arg13 : memref<!tpu.dma_semaphore, #tpu.memory_space<semaphore_mem>>) src(%dma_wait3A_27 : memref<53248x32xf32, #tpu.memory_space<hbm>>) dst(%arg11 : memref<128x32xf32, #tpu.memory_space<vmem>>)
        "tpu.region"() ({
          %run_scoped3A = tpu.sem_alloc : memref<!tpu.dma_semaphore, #tpu.memory_space<semaphore_mem>>
          %dma_start3A_28 = arith.constant 0 : i32
          %dma_start3A_29 = arith.constant 0 : i32
          %dma_start3A_30 = tpu.memref_slice %arg12[%dma_start3A_28, %dma_start3A_29] : memref<53248x32xf32, #tpu.memory_space<vmem_shared>> -> memref<53248x32xf32, #tpu.memory_space<vmem_shared>>
          tpu.enqueue_indirect_dma source(%arg11 : memref<128x32xf32, #tpu.memory_space<vmem>>) target(%dma_start3A_30 : memref<53248x32xf32, #tpu.memory_space<vmem_shared>>) offsets(%arg10 : memref<128xi32, #tpu.memory_space<vmem>>) semaphore(%run_scoped3A : memref<!tpu.dma_semaphore, #tpu.memory_space<semaphore_mem>>) {add = true}
          %dma_wait3A_31 = arith.constant 0 : i32
          %dma_wait3A_32 = arith.constant 0 : i32
          %dma_wait3A_33 = tpu.memref_slice %arg12[%dma_wait3A_31, %dma_wait3A_32] : memref<53248x32xf32, #tpu.memory_space<vmem_shared>> -> memref<53248x32xf32, #tpu.memory_space<vmem_shared>>
          tpu.wait_indirect_dma semaphore(%run_scoped3A : memref<!tpu.dma_semaphore, #tpu.memory_space<semaphore_mem>>) src(%arg11 : memref<128x32xf32, #tpu.memory_space<vmem>>) dst(%dma_wait3A_33 : memref<53248x32xf32, #tpu.memory_space<vmem_shared>>)
          tpu.yield
        }) : () -> ()
      }
      %scan3A_11 = arith.constant 392 : i32
      %barrier3A_12 = arith.constant 0 : index
      tpu.barrier barrier_id(%barrier3A_12)
      %mul3A_13 = arith.constant 3328 : i32
      %mul3A_14 = arith.muli %arg1, %mul3A_13 : i32
      %mul3A_15 = arith.constant 3328 : i32
      %mul3A_16 = arith.muli %arg1, %mul3A_15 : i32
      "tpu.region"() ({
        %run_scoped3A = tpu.sem_alloc : memref<!tpu.dma_semaphore, #tpu.memory_space<semaphore_mem>>
        %dma_start3A = arith.constant 0 : i32
        %dma_start3A_17 = tpu.memref_slice %arg7[%mul3A_16, %dma_start3A] : memref<53248x32xf32, #tpu.memory_space<hbm>> -> memref<3328x32xf32, #tpu.memory_space<hbm>>
        %dma_start3A_18 = arith.constant 0 : i32
        %dma_start3A_19 = tpu.memref_slice %arg12[%mul3A_14, %dma_start3A_18] : memref<53248x32xf32, #tpu.memory_space<vmem_shared>> -> memref<3328x32xf32, #tpu.memory_space<vmem_shared>>
        tpu.enqueue_dma source(%dma_start3A_19 : memref<3328x32xf32, #tpu.memory_space<vmem_shared>>) target(%dma_start3A_17 : memref<3328x32xf32, #tpu.memory_space<hbm>>) target_semaphore(%run_scoped3A : memref<!tpu.dma_semaphore, #tpu.memory_space<semaphore_mem>>)
        %dma_wait3A = arith.constant 0 : i32
        %dma_wait3A_20 = tpu.memref_slice %arg7[%mul3A_16, %dma_wait3A] : memref<53248x32xf32, #tpu.memory_space<hbm>> -> memref<3328x32xf32, #tpu.memory_space<hbm>>
        %dma_wait3A_21 = arith.constant 0 : i32
        %dma_wait3A_22 = tpu.memref_slice %arg12[%mul3A_14, %dma_wait3A_21] : memref<53248x32xf32, #tpu.memory_space<vmem_shared>> -> memref<3328x32xf32, #tpu.memory_space<vmem_shared>>
        tpu.wait_dma2 semaphore(%run_scoped3A : memref<!tpu.dma_semaphore, #tpu.memory_space<semaphore_mem>>) src(%dma_wait3A_22 : memref<3328x32xf32, #tpu.memory_space<vmem_shared>>) dst(%dma_wait3A_20 : memref<3328x32xf32, #tpu.memory_space<hbm>>)
        tpu.yield
      }) : () -> ()
    } else {
    }
    %eq3A_3 = arith.constant 1 : i32
    %eq3A_4 = arith.cmpi eq, %arg0, %eq3A_3 : i32
    %convert_element_type3A_5 = arith.extui %eq3A_4 : i1 to i32
    %cond3A_6 = arith.constant 0 : i32
    %cond3A_7 = arith.cmpi ne, %convert_element_type3A_5, %cond3A_6 : i32
    scf.if %cond3A_7 {
      %scan3A = arith.constant 0 : i32
      %scan3A_8 = arith.constant 392 : i32
      %scan3A_9 = arith.addi %scan3A, %scan3A_8 : i32
      %scan3A_10 = arith.constant 1 : i32
      scf.for %scan3A_17 = %scan3A to %scan3A_9 step %scan3A_10  : i32 {
        %mul3A_18 = arith.constant 1 : i32
        %mul3A_19 = arith.muli %scan3A_17, %mul3A_18 : i32
        %add3A = arith.constant 0 : i32
        %add3A_20 = arith.addi %add3A, %mul3A_19 : i32
        %mul3A_21 = arith.constant 392 : i32
        %mul3A_22 = arith.muli %arg1, %mul3A_21 : i32
        %add3A_23 = arith.addi %mul3A_22, %add3A_20 : i32
        "tpu.region"() ({
          %run_scoped3A = tpu.sem_alloc : memref<!tpu.dma_semaphore, #tpu.memory_space<semaphore_mem>>
          %dma_start3A_28 = arith.constant 0 : i32
          %dma_start3A_29 = tpu.memref_slice %arg4[%add3A_23, %dma_start3A_28] : memref<6272x128xi32, #tpu.memory_space<hbm>> -> memref<1x128xi32, #tpu.memory_space<hbm>>
          %dma_start3A_30 = tpu.memref_squeeze %dma_start3A_29 : memref<1x128xi32, #tpu.memory_space<hbm>> -> memref<128xi32, #tpu.memory_space<hbm>>
          %dma_start3A_31 = arith.constant 0 : i32
          %dma_start3A_32 = tpu.memref_slice %arg4[%add3A_23, %dma_start3A_31] : memref<6272x128xi32, #tpu.memory_space<hbm>> -> memref<1x128xi32, #tpu.memory_space<hbm>>
          %dma_start3A_33 = tpu.memref_squeeze %dma_start3A_32 : memref<1x128xi32, #tpu.memory_space<hbm>> -> memref<128xi32, #tpu.memory_space<hbm>>
          tpu.enqueue_dma source(%dma_start3A_33 : memref<128xi32, #tpu.memory_space<hbm>>) target(%arg9 : memref<128xi32, #tpu.memory_space<vmem>>) target_semaphore(%run_scoped3A : memref<!tpu.dma_semaphore, #tpu.memory_space<semaphore_mem>>)
          %dma_wait3A_34 = arith.constant 0 : i32
          %dma_wait3A_35 = tpu.memref_slice %arg4[%add3A_23, %dma_wait3A_34] : memref<6272x128xi32, #tpu.memory_space<hbm>> -> memref<1x128xi32, #tpu.memory_space<hbm>>
          %dma_wait3A_36 = tpu.memref_squeeze %dma_wait3A_35 : memref<1x128xi32, #tpu.memory_space<hbm>> -> memref<128xi32, #tpu.memory_space<hbm>>
          %dma_wait3A_37 = arith.constant 0 : i32
          %dma_wait3A_38 = tpu.memref_slice %arg4[%add3A_23, %dma_wait3A_37] : memref<6272x128xi32, #tpu.memory_space<hbm>> -> memref<1x128xi32, #tpu.memory_space<hbm>>
          %dma_wait3A_39 = tpu.memref_squeeze %dma_wait3A_38 : memref<1x128xi32, #tpu.memory_space<hbm>> -> memref<128xi32, #tpu.memory_space<hbm>>
          tpu.wait_dma2 semaphore(%run_scoped3A : memref<!tpu.dma_semaphore, #tpu.memory_space<semaphore_mem>>) src(%dma_wait3A_39 : memref<128xi32, #tpu.memory_space<hbm>>) dst(%arg9 : memref<128xi32, #tpu.memory_space<vmem>>)
          tpu.yield
        }) : () -> ()
        "tpu.region"() ({
          %run_scoped3A = tpu.sem_alloc : memref<!tpu.dma_semaphore, #tpu.memory_space<semaphore_mem>>
          %dma_start3A_28 = arith.constant 0 : i32
          %dma_start3A_29 = tpu.memref_slice %arg5[%add3A_23, %dma_start3A_28] : memref<6272x128xi32, #tpu.memory_space<hbm>> -> memref<1x128xi32, #tpu.memory_space<hbm>>
          %dma_start3A_30 = tpu.memref_squeeze %dma_start3A_29 : memref<1x128xi32, #tpu.memory_space<hbm>> -> memref<128xi32, #tpu.memory_space<hbm>>
          %dma_start3A_31 = arith.constant 0 : i32
          %dma_start3A_32 = tpu.memref_slice %arg5[%add3A_23, %dma_start3A_31] : memref<6272x128xi32, #tpu.memory_space<hbm>> -> memref<1x128xi32, #tpu.memory_space<hbm>>
          %dma_start3A_33 = tpu.memref_squeeze %dma_start3A_32 : memref<1x128xi32, #tpu.memory_space<hbm>> -> memref<128xi32, #tpu.memory_space<hbm>>
          tpu.enqueue_dma source(%dma_start3A_33 : memref<128xi32, #tpu.memory_space<hbm>>) target(%arg10 : memref<128xi32, #tpu.memory_space<vmem>>) target_semaphore(%run_scoped3A : memref<!tpu.dma_semaphore, #tpu.memory_space<semaphore_mem>>)
          %dma_wait3A_34 = arith.constant 0 : i32
          %dma_wait3A_35 = tpu.memref_slice %arg5[%add3A_23, %dma_wait3A_34] : memref<6272x128xi32, #tpu.memory_space<hbm>> -> memref<1x128xi32, #tpu.memory_space<hbm>>
          %dma_wait3A_36 = tpu.memref_squeeze %dma_wait3A_35 : memref<1x128xi32, #tpu.memory_space<hbm>> -> memref<128xi32, #tpu.memory_space<hbm>>
          %dma_wait3A_37 = arith.constant 0 : i32
          %dma_wait3A_38 = tpu.memref_slice %arg5[%add3A_23, %dma_wait3A_37] : memref<6272x128xi32, #tpu.memory_space<hbm>> -> memref<1x128xi32, #tpu.memory_space<hbm>>
          %dma_wait3A_39 = tpu.memref_squeeze %dma_wait3A_38 : memref<1x128xi32, #tpu.memory_space<hbm>> -> memref<128xi32, #tpu.memory_space<hbm>>
          tpu.wait_dma2 semaphore(%run_scoped3A : memref<!tpu.dma_semaphore, #tpu.memory_space<semaphore_mem>>) src(%dma_wait3A_39 : memref<128xi32, #tpu.memory_space<hbm>>) dst(%arg10 : memref<128xi32, #tpu.memory_space<vmem>>)
          tpu.yield
        }) : () -> ()
        %dma_start3A = arith.constant 0 : i32
        %dma_start3A_24 = arith.constant 0 : i32
        %dma_start3A_25 = tpu.memref_slice %arg3[%dma_start3A, %dma_start3A_24] : memref<53248x32xf32, #tpu.memory_space<hbm>> -> memref<53248x32xf32, #tpu.memory_space<hbm>>
        tpu.enqueue_indirect_dma source(%dma_start3A_25 : memref<53248x32xf32, #tpu.memory_space<hbm>>) target(%arg11 : memref<128x32xf32, #tpu.memory_space<vmem>>) offsets(%arg9 : memref<128xi32, #tpu.memory_space<vmem>>) semaphore(%arg13 : memref<!tpu.dma_semaphore, #tpu.memory_space<semaphore_mem>>)
        %dma_wait3A = arith.constant 0 : i32
        %dma_wait3A_26 = arith.constant 0 : i32
        %dma_wait3A_27 = tpu.memref_slice %arg3[%dma_wait3A, %dma_wait3A_26] : memref<53248x32xf32, #tpu.memory_space<hbm>> -> memref<53248x32xf32, #tpu.memory_space<hbm>>
        tpu.wait_indirect_dma semaphore(%arg13 : memref<!tpu.dma_semaphore, #tpu.memory_space<semaphore_mem>>) src(%dma_wait3A_27 : memref<53248x32xf32, #tpu.memory_space<hbm>>) dst(%arg11 : memref<128x32xf32, #tpu.memory_space<vmem>>)
        "tpu.region"() ({
          %run_scoped3A = tpu.sem_alloc : memref<!tpu.dma_semaphore, #tpu.memory_space<semaphore_mem>>
          %dma_start3A_28 = arith.constant 0 : i32
          %dma_start3A_29 = arith.constant 0 : i32
          %dma_start3A_30 = tpu.memref_slice %arg12[%dma_start3A_28, %dma_start3A_29] : memref<53248x32xf32, #tpu.memory_space<vmem_shared>> -> memref<53248x32xf32, #tpu.memory_space<vmem_shared>>
          tpu.enqueue_indirect_dma source(%arg11 : memref<128x32xf32, #tpu.memory_space<vmem>>) target(%dma_start3A_30 : memref<53248x32xf32, #tpu.memory_space<vmem_shared>>) offsets(%arg10 : memref<128xi32, #tpu.memory_space<vmem>>) semaphore(%run_scoped3A : memref<!tpu.dma_semaphore, #tpu.memory_space<semaphore_mem>>) {add = true}
          %dma_wait3A_31 = arith.constant 0 : i32
          %dma_wait3A_32 = arith.constant 0 : i32
          %dma_wait3A_33 = tpu.memref_slice %arg12[%dma_wait3A_31, %dma_wait3A_32] : memref<53248x32xf32, #tpu.memory_space<vmem_shared>> -> memref<53248x32xf32, #tpu.memory_space<vmem_shared>>
          tpu.wait_indirect_dma semaphore(%run_scoped3A : memref<!tpu.dma_semaphore, #tpu.memory_space<semaphore_mem>>) src(%arg11 : memref<128x32xf32, #tpu.memory_space<vmem>>) dst(%dma_wait3A_33 : memref<53248x32xf32, #tpu.memory_space<vmem_shared>>)
          tpu.yield
        }) : () -> ()
      }
      %scan3A_11 = arith.constant 392 : i32
      %barrier3A_12 = arith.constant 0 : index
      tpu.barrier barrier_id(%barrier3A_12)
      %mul3A_13 = arith.constant 3328 : i32
      %mul3A_14 = arith.muli %arg1, %mul3A_13 : i32
      %mul3A_15 = arith.constant 3328 : i32
      %mul3A_16 = arith.muli %arg1, %mul3A_15 : i32
      "tpu.region"() ({
        %run_scoped3A = tpu.sem_alloc : memref<!tpu.dma_semaphore, #tpu.memory_space<semaphore_mem>>
        %dma_start3A = arith.constant 0 : i32
        %dma_start3A_17 = tpu.memref_slice %arg8[%mul3A_16, %dma_start3A] : memref<53248x32xf32, #tpu.memory_space<hbm>> -> memref<3328x32xf32, #tpu.memory_space<hbm>>
        %dma_start3A_18 = arith.constant 0 : i32
        %dma_start3A_19 = tpu.memref_slice %arg12[%mul3A_14, %dma_start3A_18] : memref<53248x32xf32, #tpu.memory_space<vmem_shared>> -> memref<3328x32xf32, #tpu.memory_space<vmem_shared>>
        tpu.enqueue_dma source(%dma_start3A_19 : memref<3328x32xf32, #tpu.memory_space<vmem_shared>>) target(%dma_start3A_17 : memref<3328x32xf32, #tpu.memory_space<hbm>>) target_semaphore(%run_scoped3A : memref<!tpu.dma_semaphore, #tpu.memory_space<semaphore_mem>>)
        %dma_wait3A = arith.constant 0 : i32
        %dma_wait3A_20 = tpu.memref_slice %arg8[%mul3A_16, %dma_wait3A] : memref<53248x32xf32, #tpu.memory_space<hbm>> -> memref<3328x32xf32, #tpu.memory_space<hbm>>
        %dma_wait3A_21 = arith.constant 0 : i32
        %dma_wait3A_22 = tpu.memref_slice %arg12[%mul3A_14, %dma_wait3A_21] : memref<53248x32xf32, #tpu.memory_space<vmem_shared>> -> memref<3328x32xf32, #tpu.memory_space<vmem_shared>>
        tpu.wait_dma2 semaphore(%run_scoped3A : memref<!tpu.dma_semaphore, #tpu.memory_space<semaphore_mem>>) src(%dma_wait3A_22 : memref<3328x32xf32, #tpu.memory_space<vmem_shared>>) dst(%dma_wait3A_20 : memref<3328x32xf32, #tpu.memory_space<hbm>>)
        tpu.yield
      }) : () -> ()
    } else {
    }
    return
  }
}

module attributes {stable_mosaic.version = 14 : i64} {
  func.func @_tc_a_body(%arg0: i32, %arg1: memref<2048x32xf32, #tpu.memory_space<vmem>>, %arg2: memref<2048x32xf32, #tpu.memory_space<vmem>>, %arg3: memref<2x2048xf32, #tpu.memory_space<vmem>>, %arg4: memref<32x64xf32, #tpu.memory_space<vmem>>, %arg5: memref<32x64xf32, #tpu.memory_space<vmem>>, %arg6: memref<2048x32xf32, #tpu.memory_space<vmem>>, %arg7: memref<2048x32xf32, #tpu.memory_space<vmem>>, %arg8: memref<2048xf32, #tpu.memory_space<vmem>>) attributes {dimension_semantics = [#tpu.dimension_semantics<arbitrary>], iteration_bounds = array<i64: 26>, scalar_prefetch = 0 : i64, scratch_operands = 0 : i64, tpu.core_type = #tpu.core_type<tc>, window_params = [{transform_indices = @transform_0, window_bounds = array<i64: 2048, 32>}, {transform_indices = @transform_1, window_bounds = array<i64: 2048, 32>}, {transform_indices = @transform_2, window_bounds = array<i64: 2, 2048>}, {pipeline_mode = #tpu.pipeline_mode<synchronous>, transform_indices = @transform_3, window_bounds = array<i64: 32, 64>}, {pipeline_mode = #tpu.pipeline_mode<synchronous>, transform_indices = @transform_4, window_bounds = array<i64: 32, 64>}, {transform_indices = @transform_5, window_bounds = array<i64: 2048, 32>}, {transform_indices = @transform_6, window_bounds = array<i64: 2048, 32>}, {transform_indices = @transform_7, window_bounds = array<i64: 2048>}]} {
    %get3A = arith.constant 0 : index
    %get3A_0 = arith.constant 0 : index
    %get3A_1 = vector.load %arg3[%get3A, %get3A_0] : memref<2x2048xf32, #tpu.memory_space<vmem>>, vector<1x2048xf32>
    %get3A_2 = vector.shape_cast %get3A_1 : vector<1x2048xf32> to vector<2048xf32>
    %get3A_3 = arith.constant 1 : index
    %get3A_4 = arith.constant 0 : index
    %get3A_5 = vector.load %arg3[%get3A_3, %get3A_4] : memref<2x2048xf32, #tpu.memory_space<vmem>>, vector<1x2048xf32>
    %get3A_6 = vector.shape_cast %get3A_5 : vector<1x2048xf32> to vector<2048xf32>
    %add3A = arith.addf %get3A_2, %get3A_6 : vector<2048xf32>
    %add3A_7 = arith.constant 1.000000e+00 : f32
    %add3A_8 = vector.broadcast %add3A_7 : f32 to vector<2048xf32>
    %add3A_9 = arith.addf %add3A, %add3A_8 : vector<2048xf32>
    %rsqrt3A = math.rsqrt %add3A_9 : vector<2048xf32>
    %get3A_10 = arith.constant 0 : index
    %get3A_11 = arith.constant 0 : index
    %get3A_12 = vector.load %arg1[%get3A_10, %get3A_11] : memref<2048x32xf32, #tpu.memory_space<vmem>>, vector<2048x32xf32>
    %get3A_13 = arith.constant 0 : index
    %get3A_14 = arith.constant 0 : index
    %get3A_15 = vector.load %arg4[%get3A_13, %get3A_14] : memref<32x64xf32, #tpu.memory_space<vmem>>, vector<32x64xf32>
    %dot_general3A = arith.constant dense<0.000000e+00> : vector<2048x64xf32>
    %dot_general3A_16 = tpu.matmul %get3A_12, %get3A_15, %dot_general3A {dimension_numbers = #tpu.dot_dimension_numbers<[1], [0], [0], [1], [0, 0, 1, 1], [], []>, precision = #tpu.contract_precision<fp32>, transpose_lhs_hint = false} : vector<2048x32xf32>, vector<32x64xf32>, vector<2048x64xf32> -> vector<2048x64xf32>
    %get3A_17 = arith.constant 0 : index
    %get3A_18 = arith.constant 0 : index
    %get3A_19 = vector.load %arg2[%get3A_17, %get3A_18] : memref<2048x32xf32, #tpu.memory_space<vmem>>, vector<2048x32xf32>
    %get3A_20 = arith.constant 0 : index
    %get3A_21 = arith.constant 0 : index
    %get3A_22 = vector.load %arg5[%get3A_20, %get3A_21] : memref<32x64xf32, #tpu.memory_space<vmem>>, vector<32x64xf32>
    %dot_general3A_23 = arith.constant dense<0.000000e+00> : vector<2048x64xf32>
    %dot_general3A_24 = tpu.matmul %get3A_19, %get3A_22, %dot_general3A_23 {dimension_numbers = #tpu.dot_dimension_numbers<[1], [0], [0], [1], [0, 0, 1, 1], [], []>, precision = #tpu.contract_precision<fp32>, transpose_lhs_hint = false} : vector<2048x32xf32>, vector<32x64xf32>, vector<2048x64xf32> -> vector<2048x64xf32>
    %add3A_25 = arith.addf %dot_general3A_16, %dot_general3A_24 : vector<2048x64xf32>
    %broadcast_in_dim3A = vector.shape_cast %rsqrt3A : vector<2048xf32> to vector<2048x1xf32>
    %mul3A = vector.broadcast %broadcast_in_dim3A : vector<2048x1xf32> to vector<2048x64xf32>
    %mul3A_26 = arith.mulf %add3A_25, %mul3A : vector<2048x64xf32>
    %slice3A = vector.extract_strided_slice %mul3A_26 {offsets = [0, 0], sizes = [2048, 32], strides = [1, 1]} : vector<2048x64xf32> to vector<2048x32xf32>
    %swap3A = arith.constant 0 : index
    %swap3A_27 = arith.constant 0 : index
    %swap3A_28 = vector.load %arg6[%swap3A, %swap3A_27] : memref<2048x32xf32, #tpu.memory_space<vmem>>, vector<2048x32xf32>
    tpu.vector_store %arg6[%swap3A, %swap3A_27], %slice3A {strides = array<i32>} : memref<2048x32xf32, #tpu.memory_space<vmem>>, vector<2048x32xf32>,
    %slice3A_29 = vector.extract_strided_slice %mul3A_26 {offsets = [0, 32], sizes = [2048, 32], strides = [1, 1]} : vector<2048x64xf32> to vector<2048x32xf32>
    %swap3A_30 = arith.constant 0 : index
    %swap3A_31 = arith.constant 0 : index
    %swap3A_32 = vector.load %arg7[%swap3A_30, %swap3A_31] : memref<2048x32xf32, #tpu.memory_space<vmem>>, vector<2048x32xf32>
    tpu.vector_store %arg7[%swap3A_30, %swap3A_31], %slice3A_29 {strides = array<i32>} : memref<2048x32xf32, #tpu.memory_space<vmem>>, vector<2048x32xf32>,
    %swap3A_33 = arith.constant 0 : index
    %swap3A_34 = vector.load %arg8[%swap3A_33] : memref<2048xf32, #tpu.memory_space<vmem>>, vector<2048xf32>
    tpu.vector_store %arg8[%swap3A_33], %rsqrt3A {strides = array<i32>} : memref<2048xf32, #tpu.memory_space<vmem>>, vector<2048xf32>,
    return
  }
  func.func @transform_0(%arg0: i32) -> (i32, i32) {
    %c0_i32 = arith.constant 0 : i32
    %c0_i32_0 = arith.constant 0 : i32
    return %arg0, %c0_i32 : i32, i32
  }
  func.func @transform_1(%arg0: i32) -> (i32, i32) {
    %c0_i32 = arith.constant 0 : i32
    %c0_i32_0 = arith.constant 0 : i32
    return %arg0, %c0_i32 : i32, i32
  }
  func.func @transform_2(%arg0: i32) -> (i32, i32) {
    %c0_i32 = arith.constant 0 : i32
    %c0_i32_0 = arith.constant 0 : i32
    return %c0_i32, %arg0 : i32, i32
  }
  func.func @transform_3(%arg0: i32) -> (i32, i32) {
    %c0_i32 = arith.constant 0 : i32
    %c0_i32_0 = arith.constant 0 : i32
    %c0_i32_1 = arith.constant 0 : i32
    return %c0_i32, %c0_i32_0 : i32, i32
  }
  func.func @transform_4(%arg0: i32) -> (i32, i32) {
    %c0_i32 = arith.constant 0 : i32
    %c0_i32_0 = arith.constant 0 : i32
    %c0_i32_1 = arith.constant 0 : i32
    return %c0_i32, %c0_i32_0 : i32, i32
  }
  func.func @transform_5(%arg0: i32) -> (i32, i32) {
    %c0_i32 = arith.constant 0 : i32
    %c0_i32_0 = arith.constant 0 : i32
    return %arg0, %c0_i32 : i32, i32
  }
  func.func @transform_6(%arg0: i32) -> (i32, i32) {
    %c0_i32 = arith.constant 0 : i32
    %c0_i32_0 = arith.constant 0 : i32
    return %arg0, %c0_i32 : i32, i32
  }
  func.func @transform_7(%arg0: i32) -> i32 {
    %c0_i32 = arith.constant 0 : i32
    return %arg0 : i32
  }
}

module attributes {stable_mosaic.version = 14 : i64} {
  func.func @_tc_mid_body(%arg0: i32, %arg1: memref<2048x32xf32, #tpu.memory_space<vmem>>, %arg2: memref<2048x32xf32, #tpu.memory_space<vmem>>, %arg3: memref<2048x32xf32, #tpu.memory_space<vmem>>, %arg4: memref<2048x32xf32, #tpu.memory_space<vmem>>, %arg5: memref<2048xf32, #tpu.memory_space<vmem>>, %arg6: memref<1x64xf32, #tpu.memory_space<vmem>>, %arg7: memref<32x64xf32, #tpu.memory_space<vmem>>, %arg8: memref<32x64xf32, #tpu.memory_space<vmem>>, %arg9: memref<2048x32xf32, #tpu.memory_space<vmem>>, %arg10: memref<2048x32xf32, #tpu.memory_space<vmem>>) attributes {dimension_semantics = [#tpu.dimension_semantics<arbitrary>], iteration_bounds = array<i64: 26>, scalar_prefetch = 0 : i64, scratch_operands = 0 : i64, tpu.core_type = #tpu.core_type<tc>, window_params = [{transform_indices = @transform_0, window_bounds = array<i64: 2048, 32>}, {transform_indices = @transform_1, window_bounds = array<i64: 2048, 32>}, {transform_indices = @transform_2, window_bounds = array<i64: 2048, 32>}, {transform_indices = @transform_3, window_bounds = array<i64: 2048, 32>}, {transform_indices = @transform_4, window_bounds = array<i64: 2048>}, {pipeline_mode = #tpu.pipeline_mode<synchronous>, transform_indices = @transform_5, window_bounds = array<i64: 1, 64>}, {pipeline_mode = #tpu.pipeline_mode<synchronous>, transform_indices = @transform_6, window_bounds = array<i64: 32, 64>}, {pipeline_mode = #tpu.pipeline_mode<synchronous>, transform_indices = @transform_7, window_bounds = array<i64: 32, 64>}, {transform_indices = @transform_8, window_bounds = array<i64: 2048, 32>}, {transform_indices = @transform_9, window_bounds = array<i64: 2048, 32>}]} {
    %get3A = arith.constant 0 : index
    %get3A_0 = vector.load %arg5[%get3A] : memref<2048xf32, #tpu.memory_space<vmem>>, vector<2048xf32>
    %broadcast_in_dim3A = vector.shape_cast %get3A_0 : vector<2048xf32> to vector<2048x1xf32>
    %get3A_1 = arith.constant 0 : index
    %get3A_2 = arith.constant 0 : index
    %get3A_3 = vector.load %arg1[%get3A_1, %get3A_2] : memref<2048x32xf32, #tpu.memory_space<vmem>>, vector<2048x32xf32>
    %get3A_4 = arith.constant 0 : index
    %get3A_5 = arith.constant 0 : index
    %get3A_6 = vector.load %arg3[%get3A_4, %get3A_5] : memref<2048x32xf32, #tpu.memory_space<vmem>>, vector<2048x32xf32>
    %add3A = arith.addf %get3A_3, %get3A_6 : vector<2048x32xf32>
    %mul3A = vector.broadcast %broadcast_in_dim3A : vector<2048x1xf32> to vector<2048x32xf32>
    %mul3A_7 = arith.mulf %mul3A, %add3A : vector<2048x32xf32>
    %get3A_8 = arith.constant 0 : index
    %get3A_9 = arith.constant 0 : index
    %get3A_10 = vector.load %arg6[%get3A_8, %get3A_9] : memref<1x64xf32, #tpu.memory_space<vmem>>, vector<1x32xf32>
    %get3A_11 = vector.shape_cast %get3A_10 : vector<1x32xf32> to vector<32xf32>
    %broadcast_in_dim3A_12 = vector.shape_cast %get3A_11 : vector<32xf32> to vector<1x32xf32>
    %add3A_13 = vector.broadcast %broadcast_in_dim3A_12 : vector<1x32xf32> to vector<2048x32xf32>
    %add3A_14 = arith.addf %mul3A_7, %add3A_13 : vector<2048x32xf32>
    %max3A = arith.constant 0.000000e+00 : f32
    %max3A_15 = vector.broadcast %max3A : f32 to vector<2048x32xf32>
    %max3A_16 = arith.maximumf %add3A_14, %max3A_15 : vector<2048x32xf32>
    %broadcast_in_dim3A_17 = vector.shape_cast %get3A_0 : vector<2048xf32> to vector<2048x1xf32>
    %get3A_18 = arith.constant 0 : index
    %get3A_19 = arith.constant 0 : index
    %get3A_20 = vector.load %arg2[%get3A_18, %get3A_19] : memref<2048x32xf32, #tpu.memory_space<vmem>>, vector<2048x32xf32>
    %get3A_21 = arith.constant 0 : index
    %get3A_22 = arith.constant 0 : index
    %get3A_23 = vector.load %arg4[%get3A_21, %get3A_22] : memref<2048x32xf32, #tpu.memory_space<vmem>>, vector<2048x32xf32>
    %add3A_24 = arith.addf %get3A_20, %get3A_23 : vector<2048x32xf32>
    %mul3A_25 = vector.broadcast %broadcast_in_dim3A_17 : vector<2048x1xf32> to vector<2048x32xf32>
    %mul3A_26 = arith.mulf %mul3A_25, %add3A_24 : vector<2048x32xf32>
    %get3A_27 = arith.constant 0 : index
    %get3A_28 = arith.constant 32 : index
    %get3A_29 = vector.load %arg6[%get3A_27, %get3A_28] : memref<1x64xf32, #tpu.memory_space<vmem>>, vector<1x32xf32>
    %get3A_30 = vector.shape_cast %get3A_29 : vector<1x32xf32> to vector<32xf32>
    %broadcast_in_dim3A_31 = vector.shape_cast %get3A_30 : vector<32xf32> to vector<1x32xf32>
    %add3A_32 = vector.broadcast %broadcast_in_dim3A_31 : vector<1x32xf32> to vector<2048x32xf32>
    %add3A_33 = arith.addf %mul3A_26, %add3A_32 : vector<2048x32xf32>
    %max3A_34 = arith.constant 0.000000e+00 : f32
    %max3A_35 = vector.broadcast %max3A_34 : f32 to vector<2048x32xf32>
    %max3A_36 = arith.maximumf %add3A_33, %max3A_35 : vector<2048x32xf32>
    %get3A_37 = arith.constant 0 : index
    %get3A_38 = arith.constant 0 : index
    %get3A_39 = vector.load %arg7[%get3A_37, %get3A_38] : memref<32x64xf32, #tpu.memory_space<vmem>>, vector<32x64xf32>
    %dot_general3A = arith.constant dense<0.000000e+00> : vector<2048x64xf32>
    %dot_general3A_40 = tpu.matmul %max3A_16, %get3A_39, %dot_general3A {dimension_numbers = #tpu.dot_dimension_numbers<[1], [0], [0], [1], [0, 0, 1, 1], [], []>, precision = #tpu.contract_precision<fp32>, transpose_lhs_hint = false} : vector<2048x32xf32>, vector<32x64xf32>, vector<2048x64xf32> -> vector<2048x64xf32>
    %get3A_41 = arith.constant 0 : index
    %get3A_42 = arith.constant 0 : index
    %get3A_43 = vector.load %arg8[%get3A_41, %get3A_42] : memref<32x64xf32, #tpu.memory_space<vmem>>, vector<32x64xf32>
    %dot_general3A_44 = arith.constant dense<0.000000e+00> : vector<2048x64xf32>
    %dot_general3A_45 = tpu.matmul %max3A_36, %get3A_43, %dot_general3A_44 {dimension_numbers = #tpu.dot_dimension_numbers<[1], [0], [0], [1], [0, 0, 1, 1], [], []>, precision = #tpu.contract_precision<fp32>, transpose_lhs_hint = false} : vector<2048x32xf32>, vector<32x64xf32>, vector<2048x64xf32> -> vector<2048x64xf32>
    %add3A_46 = arith.addf %dot_general3A_40, %dot_general3A_45 : vector<2048x64xf32>
    %broadcast_in_dim3A_47 = vector.shape_cast %get3A_0 : vector<2048xf32> to vector<2048x1xf32>
    %mul3A_48 = vector.broadcast %broadcast_in_dim3A_47 : vector<2048x1xf32> to vector<2048x64xf32>
    %mul3A_49 = arith.mulf %add3A_46, %mul3A_48 : vector<2048x64xf32>
    %slice3A = vector.extract_strided_slice %mul3A_49 {offsets = [0, 0], sizes = [2048, 32], strides = [1, 1]} : vector<2048x64xf32> to vector<2048x32xf32>
    %swap3A = arith.constant 0 : index
    %swap3A_50 = arith.constant 0 : index
    %swap3A_51 = vector.load %arg9[%swap3A, %swap3A_50] : memref<2048x32xf32, #tpu.memory_space<vmem>>, vector<2048x32xf32>
    tpu.vector_store %arg9[%swap3A, %swap3A_50], %slice3A {strides = array<i32>} : memref<2048x32xf32, #tpu.memory_space<vmem>>, vector<2048x32xf32>,
    %slice3A_52 = vector.extract_strided_slice %mul3A_49 {offsets = [0, 32], sizes = [2048, 32], strides = [1, 1]} : vector<2048x64xf32> to vector<2048x32xf32>
    %swap3A_53 = arith.constant 0 : index
    %swap3A_54 = arith.constant 0 : index
    %swap3A_55 = vector.load %arg10[%swap3A_53, %swap3A_54] : memref<2048x32xf32, #tpu.memory_space<vmem>>, vector<2048x32xf32>
    tpu.vector_store %arg10[%swap3A_53, %swap3A_54], %slice3A_52 {strides = array<i32>} : memref<2048x32xf32, #tpu.memory_space<vmem>>, vector<2048x32xf32>,
    return
  }
  func.func @transform_0(%arg0: i32) -> (i32, i32) {
    %c0_i32 = arith.constant 0 : i32
    %c0_i32_0 = arith.constant 0 : i32
    return %arg0, %c0_i32 : i32, i32
  }
  func.func @transform_1(%arg0: i32) -> (i32, i32) {
    %c0_i32 = arith.constant 0 : i32
    %c0_i32_0 = arith.constant 0 : i32
    return %arg0, %c0_i32 : i32, i32
  }
  func.func @transform_2(%arg0: i32) -> (i32, i32) {
    %c0_i32 = arith.constant 0 : i32
    %c0_i32_0 = arith.constant 0 : i32
    return %arg0, %c0_i32 : i32, i32
  }
  func.func @transform_3(%arg0: i32) -> (i32, i32) {
    %c0_i32 = arith.constant 0 : i32
    %c0_i32_0 = arith.constant 0 : i32
    return %arg0, %c0_i32 : i32, i32
  }
  func.func @transform_4(%arg0: i32) -> i32 {
    %c0_i32 = arith.constant 0 : i32
    return %arg0 : i32
  }
  func.func @transform_5(%arg0: i32) -> (i32, i32) {
    %c0_i32 = arith.constant 0 : i32
    %c0_i32_0 = arith.constant 0 : i32
    %c0_i32_1 = arith.constant 0 : i32
    return %c0_i32, %c0_i32_0 : i32, i32
  }
  func.func @transform_6(%arg0: i32) -> (i32, i32) {
    %c0_i32 = arith.constant 0 : i32
    %c0_i32_0 = arith.constant 0 : i32
    %c0_i32_1 = arith.constant 0 : i32
    return %c0_i32, %c0_i32_0 : i32, i32
  }
  func.func @transform_7(%arg0: i32) -> (i32, i32) {
    %c0_i32 = arith.constant 0 : i32
    %c0_i32_0 = arith.constant 0 : i32
    %c0_i32_1 = arith.constant 0 : i32
    return %c0_i32, %c0_i32_0 : i32, i32
  }
  func.func @transform_8(%arg0: i32) -> (i32, i32) {
    %c0_i32 = arith.constant 0 : i32
    %c0_i32_0 = arith.constant 0 : i32
    return %arg0, %c0_i32 : i32, i32
  }
  func.func @transform_9(%arg0: i32) -> (i32, i32) {
    %c0_i32 = arith.constant 0 : i32
    %c0_i32_0 = arith.constant 0 : i32
    return %arg0, %c0_i32 : i32, i32
  }
}

module attributes {stable_mosaic.version = 14 : i64} {
  func.func @_tc_fin_body(%arg0: i32, %arg1: memref<2048x32xf32, #tpu.memory_space<vmem>>, %arg2: memref<2048x32xf32, #tpu.memory_space<vmem>>, %arg3: memref<2048x32xf32, #tpu.memory_space<vmem>>, %arg4: memref<2048x32xf32, #tpu.memory_space<vmem>>, %arg5: memref<2048xf32, #tpu.memory_space<vmem>>, %arg6: memref<1x64xf32, #tpu.memory_space<vmem>>, %arg7: memref<1x64xf32, #tpu.memory_space<vmem>>, %arg8: memref<1x1xf32, #tpu.memory_space<vmem>>, %arg9: memref<1x1x2048xf32, #tpu.memory_space<vmem>>) attributes {dimension_semantics = [#tpu.dimension_semantics<arbitrary>], iteration_bounds = array<i64: 26>, scalar_prefetch = 0 : i64, scratch_operands = 0 : i64, tpu.core_type = #tpu.core_type<tc>, window_params = [{transform_indices = @transform_0, window_bounds = array<i64: 2048, 32>}, {transform_indices = @transform_1, window_bounds = array<i64: 2048, 32>}, {transform_indices = @transform_2, window_bounds = array<i64: 2048, 32>}, {transform_indices = @transform_3, window_bounds = array<i64: 2048, 32>}, {transform_indices = @transform_4, window_bounds = array<i64: 2048>}, {pipeline_mode = #tpu.pipeline_mode<synchronous>, transform_indices = @transform_5, window_bounds = array<i64: 1, 64>}, {pipeline_mode = #tpu.pipeline_mode<synchronous>, transform_indices = @transform_6, window_bounds = array<i64: 1, 64>}, {pipeline_mode = #tpu.pipeline_mode<synchronous>, transform_indices = @transform_7, window_bounds = array<i64: 1, 1>}, {transform_indices = @transform_8, window_bounds = array<i64: 1, 1, 2048>}]} {
    %get3A = arith.constant 0 : index
    %get3A_0 = vector.load %arg5[%get3A] : memref<2048xf32, #tpu.memory_space<vmem>>, vector<2048xf32>
    %broadcast_in_dim3A = vector.shape_cast %get3A_0 : vector<2048xf32> to vector<2048x1xf32>
    %get3A_1 = arith.constant 0 : index
    %get3A_2 = arith.constant 0 : index
    %get3A_3 = vector.load %arg1[%get3A_1, %get3A_2] : memref<2048x32xf32, #tpu.memory_space<vmem>>, vector<2048x32xf32>
    %get3A_4 = arith.constant 0 : index
    %get3A_5 = arith.constant 0 : index
    %get3A_6 = vector.load %arg3[%get3A_4, %get3A_5] : memref<2048x32xf32, #tpu.memory_space<vmem>>, vector<2048x32xf32>
    %add3A = arith.addf %get3A_3, %get3A_6 : vector<2048x32xf32>
    %mul3A = vector.broadcast %broadcast_in_dim3A : vector<2048x1xf32> to vector<2048x32xf32>
    %mul3A_7 = arith.mulf %mul3A, %add3A : vector<2048x32xf32>
    %get3A_8 = arith.constant 0 : index
    %get3A_9 = arith.constant 0 : index
    %get3A_10 = vector.load %arg6[%get3A_8, %get3A_9] : memref<1x64xf32, #tpu.memory_space<vmem>>, vector<1x32xf32>
    %get3A_11 = vector.shape_cast %get3A_10 : vector<1x32xf32> to vector<32xf32>
    %broadcast_in_dim3A_12 = vector.shape_cast %get3A_11 : vector<32xf32> to vector<1x32xf32>
    %add3A_13 = vector.broadcast %broadcast_in_dim3A_12 : vector<1x32xf32> to vector<2048x32xf32>
    %add3A_14 = arith.addf %mul3A_7, %add3A_13 : vector<2048x32xf32>
    %max3A = arith.constant 0.000000e+00 : f32
    %max3A_15 = vector.broadcast %max3A : f32 to vector<2048x32xf32>
    %max3A_16 = arith.maximumf %add3A_14, %max3A_15 : vector<2048x32xf32>
    %broadcast_in_dim3A_17 = vector.shape_cast %get3A_0 : vector<2048xf32> to vector<2048x1xf32>
    %get3A_18 = arith.constant 0 : index
    %get3A_19 = arith.constant 0 : index
    %get3A_20 = vector.load %arg2[%get3A_18, %get3A_19] : memref<2048x32xf32, #tpu.memory_space<vmem>>, vector<2048x32xf32>
    %get3A_21 = arith.constant 0 : index
    %get3A_22 = arith.constant 0 : index
    %get3A_23 = vector.load %arg4[%get3A_21, %get3A_22] : memref<2048x32xf32, #tpu.memory_space<vmem>>, vector<2048x32xf32>
    %add3A_24 = arith.addf %get3A_20, %get3A_23 : vector<2048x32xf32>
    %mul3A_25 = vector.broadcast %broadcast_in_dim3A_17 : vector<2048x1xf32> to vector<2048x32xf32>
    %mul3A_26 = arith.mulf %mul3A_25, %add3A_24 : vector<2048x32xf32>
    %get3A_27 = arith.constant 0 : index
    %get3A_28 = arith.constant 32 : index
    %get3A_29 = vector.load %arg6[%get3A_27, %get3A_28] : memref<1x64xf32, #tpu.memory_space<vmem>>, vector<1x32xf32>
    %get3A_30 = vector.shape_cast %get3A_29 : vector<1x32xf32> to vector<32xf32>
    %broadcast_in_dim3A_31 = vector.shape_cast %get3A_30 : vector<32xf32> to vector<1x32xf32>
    %add3A_32 = vector.broadcast %broadcast_in_dim3A_31 : vector<1x32xf32> to vector<2048x32xf32>
    %add3A_33 = arith.addf %mul3A_26, %add3A_32 : vector<2048x32xf32>
    %max3A_34 = arith.constant 0.000000e+00 : f32
    %max3A_35 = vector.broadcast %max3A_34 : f32 to vector<2048x32xf32>
    %max3A_36 = arith.maximumf %add3A_33, %max3A_35 : vector<2048x32xf32>
    %get3A_37 = arith.constant 0 : index
    %get3A_38 = arith.constant 0 : index
    %get3A_39 = vector.load %arg7[%get3A_37, %get3A_38] : memref<1x64xf32, #tpu.memory_space<vmem>>, vector<1x32xf32>
    %get3A_40 = vector.shape_cast %get3A_39 : vector<1x32xf32> to vector<32xf32>
    %broadcast_in_dim3A_41 = vector.shape_cast %get3A_40 : vector<32xf32> to vector<1x32xf32>
    %mul3A_42 = vector.broadcast %broadcast_in_dim3A_41 : vector<1x32xf32> to vector<2048x32xf32>
    %mul3A_43 = arith.mulf %max3A_16, %mul3A_42 : vector<2048x32xf32>
    %reduce_sum3A = arith.constant dense<0.000000e+00> : vector<2048xf32>
    %reduce_sum3A_44 = vector.multi_reduction <add>, %mul3A_43, %reduce_sum3A [1] : vector<2048x32xf32> to vector<2048xf32>
    %get3A_45 = arith.constant 0 : index
    %get3A_46 = arith.constant 32 : index
    %get3A_47 = vector.load %arg7[%get3A_45, %get3A_46] : memref<1x64xf32, #tpu.memory_space<vmem>>, vector<1x32xf32>
    %get3A_48 = vector.shape_cast %get3A_47 : vector<1x32xf32> to vector<32xf32>
    %broadcast_in_dim3A_49 = vector.shape_cast %get3A_48 : vector<32xf32> to vector<1x32xf32>
    %mul3A_50 = vector.broadcast %broadcast_in_dim3A_49 : vector<1x32xf32> to vector<2048x32xf32>
    %mul3A_51 = arith.mulf %max3A_36, %mul3A_50 : vector<2048x32xf32>
    %reduce_sum3A_52 = arith.constant dense<0.000000e+00> : vector<2048xf32>
    %reduce_sum3A_53 = vector.multi_reduction <add>, %mul3A_51, %reduce_sum3A_52 [1] : vector<2048x32xf32> to vector<2048xf32>
    %add3A_54 = arith.addf %reduce_sum3A_44, %reduce_sum3A_53 : vector<2048xf32>
    %get3A_55 = arith.constant 0 : index
    %get3A_56 = arith.constant 0 : index
    %get3A_57 = vector.load %arg8[%get3A_55, %get3A_56] : memref<1x1xf32, #tpu.memory_space<vmem>>, vector<1x1xf32>
    %get3A_58 = vector.extract %get3A_57[0, 0] : f32 from vector<1x1xf32>
    %add3A_59 = vector.broadcast %get3A_58 : f32 to vector<2048xf32>
    %add3A_60 = arith.addf %add3A_54, %add3A_59 : vector<2048xf32>
    %reshape3A = vector.shape_cast %add3A_60 : vector<2048xf32> to vector<1x1x2048xf32>
    %swap3A = arith.constant 0 : index
    %swap3A_61 = arith.constant 0 : index
    %swap3A_62 = arith.constant 0 : index
    %swap3A_63 = vector.load %arg9[%swap3A, %swap3A_61, %swap3A_62] : memref<1x1x2048xf32, #tpu.memory_space<vmem>>, vector<1x1x2048xf32>
    tpu.vector_store %arg9[%swap3A, %swap3A_61, %swap3A_62], %reshape3A {strides = array<i32>} : memref<1x1x2048xf32, #tpu.memory_space<vmem>>, vector<1x1x2048xf32>,
    return
  }
  func.func @transform_0(%arg0: i32) -> (i32, i32) {
    %c0_i32 = arith.constant 0 : i32
    %c0_i32_0 = arith.constant 0 : i32
    return %arg0, %c0_i32 : i32, i32
  }
  func.func @transform_1(%arg0: i32) -> (i32, i32) {
    %c0_i32 = arith.constant 0 : i32
    %c0_i32_0 = arith.constant 0 : i32
    return %arg0, %c0_i32 : i32, i32
  }
  func.func @transform_2(%arg0: i32) -> (i32, i32) {
    %c0_i32 = arith.constant 0 : i32
    %c0_i32_0 = arith.constant 0 : i32
    return %arg0, %c0_i32 : i32, i32
  }
  func.func @transform_3(%arg0: i32) -> (i32, i32) {
    %c0_i32 = arith.constant 0 : i32
    %c0_i32_0 = arith.constant 0 : i32
    return %arg0, %c0_i32 : i32, i32
  }
  func.func @transform_4(%arg0: i32) -> i32 {
    %c0_i32 = arith.constant 0 : i32
    return %arg0 : i32
  }
  func.func @transform_5(%arg0: i32) -> (i32, i32) {
    %c0_i32 = arith.constant 0 : i32
    %c0_i32_0 = arith.constant 0 : i32
    %c0_i32_1 = arith.constant 0 : i32
    return %c0_i32, %c0_i32_0 : i32, i32
  }
  func.func @transform_6(%arg0: i32) -> (i32, i32) {
    %c0_i32 = arith.constant 0 : i32
    %c0_i32_0 = arith.constant 0 : i32
    %c0_i32_1 = arith.constant 0 : i32
    return %c0_i32, %c0_i32_0 : i32, i32
  }
  func.func @transform_7(%arg0: i32) -> (i32, i32) {
    %c0_i32 = arith.constant 0 : i32
    %c0_i32_0 = arith.constant 0 : i32
    %c0_i32_1 = arith.constant 0 : i32
    return %c0_i32, %c0_i32_0 : i32, i32
  }
  func.func @transform_8(%arg0: i32) -> (i32, i32, i32) {
    %c0_i32 = arith.constant 0 : i32
    %c0_i32_0 = arith.constant 0 : i32
    %c0_i32_1 = arith.constant 0 : i32
    return %arg0, %c0_i32, %c0_i32_0 : i32, i32, i32
  }
}

</mosaic_0001>

<sc_bundles>
// kernel: _run.11.cloned.1.call-start
scs
__scs_entry_jumppad:
0x0: {  	(pc) =	sbr.rel $0x88, $3  }
0x1: {  	(tag) =	ssettag $0x0;
	lr =	simm.s32 $0x1  }
0x2: {  	[smem:$0x3F96] =	sst lr;
	_ =	strace $0xD0000000  }
0x3: {  	_ = 	snop  }
0x4: {  	_ = 	snop  }
0x5: {  	_ = 	snop  }
0x6: {  	_ = 	snop  }
0x7: {  	_ = 	snop  }
__scs_overlays_trampoline_lowered:
0x8: {  	[smem:$0x3FA5] =	sst s0  }
0x9: {  	[smem:$0x3FA6] =	sst s1  }
0xa: {  	[smem:$0x3FA7] =	sst s2  }
0xb: {  	[smem:$0x3FA8] =	sst s3  }
0xc: {  	[smem:$0x3FA9] =	sst s4  }
0xd: {  	[smem:$0x3FAA] =	sst s5  }
0xe: {  	[smem:$0x3FAB] =	sst s6  }
0xf: {  	[smem:$0x3FAC] =	sst s7  }
0x10: {  	[smem:$0x3FAD] =	sst s8  }
0x11: {  	[smem:$0x3FAE] =	sst s9;
	s0 =	simm.s32 @!p0 $0x0  }
0x12: {  	s1 =	sld [smem:$0x3F94];
	s0 =	simm.s32 @p0 $0x1  }
0x13: {  	[smem:$0x3FAF] =	sst s0;
	s0 =	simm.s32 @!p1 $0x0  }
0x14: {  	s2 =	sld [smem:$0x3F93];
	s0 =	simm.s32 @p1 $0x1  }
0x15: {  	[smem:$0x3FB0] =	sst s0;
	s0 =	simm.s32 @!p2 $0x0  }
0x16: {  	s3 =	sld [smem:$0x3FDB];
	s0 =	simm.s32 @p2 $0x1  }
0x17: {  	s4 =	simm.s32 $0x1BF5;
	[smem:$0x3FB2] =	sst s0  }
0x18: {  	s0 =	sld [smem:$0x3F95];
	_ =	swait.ge [sflag:s4], $0x0  }
0x19: {  	s7 =	sld [smem:$0x3F96]  }
0x1a: {  	s8 =	sadd.s32 $0xFFFFE003, lr  }
0x1b: {  	s9 =	sadd.s32 $0xFFFFFEF7, lr;
	s5 =	simm.s32 $0xFFFFFFFF;
	p2 =	slt.u32 s8, $0xFFFFF086  }
0x1c: {  	p1 =	slt.u32 s9, $0xF7A;
	s5 =	simm.s32 @!p2 $0x0  }
0x1d: {  	s5 =	simm.s32 @p1 $0x1;
	p0 =	seq.s32 s7, s2  }
0x1e: {  	s7 =	smul.u32 @!p0 $0xF7A, s2;
	p2 =	seq.s32 @!p0 s5, $0x0  }
0x1f: {  	s9 =	smul.u32 $0xF7A, s1;
	s8 =	simm.s32 @!p0 $0x1BF5;
	p2 =	por !p2, p0  }
0x20: {  	[sflag:s8] =	ssyncset.s32 @!p0 $0xFFFFF086;
	s6 =	sadd.s32 @!p0 s3, s7;
	s7 =	simm.s32 @!p0 $0x108  }
0x21: {  	s3 =	sadd.s32 s3, s9;
	s6 =	sadd.s32 @!p0 $0x88, s6;
	s7 =	simm.s32 @p2 $0x1082  }
0x22: {  	[simem:s7], [sflag:s8] =	dma.local @!p0 [hbm:s6], $0xF7A  }
0x23: {  	s9 =	sor.u32 $0xD0000000, s2;
	s6 =	simm.s32 $0x108;
	_ =	swait.ge @!p0 [sflag:s8], $0x0  }
0x24: {  	s3 =	sadd.s32 $0x88, s3;
	s6 =	simm.s32 @!p1 $0x1082;
	[sflag:s4] =	ssyncset.s32 $0xFFFFF086  }
0x25: {  	[simem:s6], [sflag:s4] =	dma.local [hbm:s3], $0xF7A  }
0x26: {  	[smem:$0x3F96] =	sst s1;
	(tag) =	ssettag s2;
	_ =	strace s9  }
0x27: {  	s1 =	sld [smem:$0x3FA6]  }
0x28: {  	s2 =	sld [smem:$0x3FA7]  }
0x29: {  	s4 =	sld [smem:$0x3FA9]  }
0x2a: {  	p0 =	seq.s32 s5, $0x0;
	s5 =	sld [smem:$0x3FAA]  }
0x2b: {  	s6 =	sld [smem:$0x3FAB]  }
0x2c: {  	s7 =	sld [smem:$0x3FAC]  }
0x2d: {  	s3 =	simm.s32 $0x108;
	s8 =	sld [smem:$0x3FAD]  }
0x2e: {  	s3 =	simm.s32 @!p0 $0x1082;
	s9 =	sld [smem:$0x3FAE]  }
0x2f: {  	lr =	sadd.s32 s0, s3;
	s0 =	sld [smem:$0x3FA5]  }
0x30: {  	s3 =	sld [smem:$0x3FA8]  }
0x31: {  	[smem:$0x3FB1] =	sst s10  }
0x32: {  	s10 =	sld [smem:$0x3FAF];
	_ =	sdelay $0x3  }
0x33: {  	p0 =	seq.s32 s10, $0x1;
	s10 =	sld [smem:$0x3FB1];
	_ =	sdelay $0x3  }
0x34: {  	[smem:$0x3FB1] =	sst s10  }
0x35: {  	s10 =	sld [smem:$0x3FB0];
	_ =	sdelay $0x3  }
0x36: {  	p1 =	seq.s32 s10, $0x1;
	s10 =	sld [smem:$0x3FB1];
	_ =	sdelay $0x3  }
0x37: {  	[smem:$0x3FB1] =	sst s10  }
0x38: {  	s10 =	sld [smem:$0x3FB2]  }
0x39: {  	_ = 	snop;
	(pc) =	sbr.ind lr, $3  }
0x3a: {  	_ = 	snop  }
0x3b: {  	_ = 	snop  }
0x3c: {  	p2 =	seq.s32 s10, $0x1;
	s10 =	sld [smem:$0x3FB1]  }
0x3d: {  	_ =	shalt  }
0x3e: {  	_ =	shalt  }
0x3f: {  	_ =	shalt  }
0x40: {  	_ =	shalt  }
0x41: {  	_ =	shalt  }
0x42: {  	_ =	shalt  }
0x43: {  	_ =	shalt  }
0x44: {  	_ =	shalt  }
0x45: {  	_ =	shalt  }
0x46: {  	_ =	shalt  }
0x47: {  	_ =	shalt  }
0x48: {  	_ =	shalt  }
0x49: {  	_ =	shalt  }
0x4a: {  	_ =	shalt  }
0x4b: {  	_ =	shalt  }
0x4c: {  	_ =	shalt  }
0x4d: {  	_ =	shalt  }
0x4e: {  	_ =	shalt  }
0x4f: {  	_ =	shalt  }
0x50: {  	_ =	shalt  }
0x51: {  	_ =	shalt  }
0x52: {  	_ =	shalt  }
0x53: {  	_ =	shalt  }
0x54: {  	_ =	shalt  }
0x55: {  	_ =	shalt  }
0x56: {  	_ =	shalt  }
0x57: {  	_ =	shalt  }
0x58: {  	_ =	shalt  }
0x59: {  	_ =	shalt  }
0x5a: {  	_ =	shalt  }
0x5b: {  	_ =	shalt  }
0x5c: {  	_ =	shalt  }
0x5d: {  	_ =	shalt  }
0x5e: {  	_ =	shalt  }
0x5f: {  	_ =	shalt  }
0x60: {  	_ =	shalt  }
0x61: {  	_ =	shalt  }
0x62: {  	_ =	shalt  }
0x63: {  	_ =	shalt  }
0x64: {  	_ =	shalt  }
0x65: {  	_ =	shalt  }
0x66: {  	_ =	shalt  }
0x67: {  	_ =	shalt  }
0x68: {  	_ =	shalt  }
0x69: {  	_ =	shalt  }
0x6a: {  	_ =	shalt  }
0x6b: {  	_ =	shalt  }
0x6c: {  	_ =	shalt  }
0x6d: {  	_ =	shalt  }
0x6e: {  	_ =	shalt  }
0x6f: {  	_ =	shalt  }
0x70: {  	_ =	shalt  }
0x71: {  	_ =	shalt  }
0x72: {  	_ =	shalt  }
0x73: {  	_ =	shalt  }
0x74: {  	_ =	shalt  }
0x75: {  	_ =	shalt  }
0x76: {  	_ =	shalt  }
0x77: {  	_ =	shalt  }
0x78: {  	_ =	shalt  }
0x79: {  	_ =	shalt  }
0x7a: {  	_ =	shalt  }
0x7b: {  	_ =	shalt  }
0x7c: {  	_ =	shalt  }
0x7d: {  	_ =	shalt  }
0x7e: {  	_ =	shalt  }
0x7f: {  	_ =	shalt  }
0x80: {  	_ =	shalt  }
0x81: {  	_ =	shalt  }
0x82: {  	_ =	shalt  }
0x83: {  	_ =	shalt  }
0x84: {  	_ =	shalt  }
0x85: {  	_ =	shalt  }
0x86: {  	_ =	shalt  }
0x87: {  	_ =	shalt  }
.Lfunc_end0:
.L_simem_size_0:
called_computation.1_lowered:
.L_overlay_start_0:
0x88: {  	s2 =	sld [smem:$0x3FD9]  }
0x89: {  	s3 =	sld [smem:$0x3FFE];
	_ =	sdelay $0x1  }
0x8a: {  	s1 =	srdreg.scid  }
0x8b: {  	s0 =	sand.u32 $0x1, s1  }
0x8c: {  	s16 =	sshll.u32 s0, $0xA;
	s2 =	sadd.s32 s3, s2  }
0x8d: {  	s2 =	sadd.s32 s2, s16  }
0x8e: {  	[smem:$0x3FBD] =	sst s2  }
0x8f: {  	_ = 	snop  }
0x90: {  	(tm) =	ssettm $0x1  }
0x91: {  	s17 =	sld [smem:$0x3FFB];
	_ =	sdelay $0x3  }
0x92: {  	_ =	strace s17  }
0x93: {  	s2 =	sld [smem:$0x3FFC];
	_ =	sdelay $0x3  }
0x94: {  	_ =	strace s2  }
0x95: {  	s2 =	sld [smem:$0x3FFD];
	_ =	sdelay $0x3  }
0x96: {  	_ =	strace s2  }
0x97: {  	_ =	strace $0x8FFFFFFF  }
0x98: {  	s18 =	sld [smem:$0x3FDB];
	_ =	sdelay $0x1  }
0x99: {  	s19 =	simm.s32 $_scs_section_size  }
0x9a: {  	s4 =	simm.s32 $_size__tile_overlayer_lowered;
	s5 =	simm.s32 $_tile_overlayer_lowered  }
0x9b: {  	s22 =	simm.s32 $0x1BFF;
	s21 =	sshll.u32 s5, $0x1;
	s2 =	sadd.s32 s19, s18  }
0x9c: {  	s6 =	simm.s32 $0x0;
	s20 =	sshll.u32 s4, $0x1;
	s4 =	sadd.s32 s21, s2  }
0x9d: {  	[timem:s6], [sflag:s22] =	dma.local [hbm:s4], s20  }
0x9e: {  	_ =	swait.ge [sflag:s22], s20  }
0x9f: {  	s3 =	ssub.s32 $0x0, s20;
	[sflag:s22] =	ssyncset.done $0x0  }
0xa0: {  	[sflag:s22] =	ssyncadd.s32 s3;
	_ =	sdelay $0x1  }
0xa1: {  	s23 =	simm.s32 $0x1B8B  }
0xa2: {  	_ =	swait.ge [sflag:s23], $0x1  }
0xa3: {  	[sflag:s23] =	ssyncset.done $0x0  }
0xa4: {  	s25 =	simm.s32 $0x1B8E;
	s24 =	sld [smem:$0x3FFE];
	[sflag:s23] =	ssyncadd.s32 $0xFFFFFFFF  }
0xa5: {  	s26 =	simm.s32 $execute0_lowered;
	[smem:$0x3FD2] =	sst s25  }
0xa6: {  	s4 =	sshll.u32 s26, $0x1;
	_ =	strace $0x80000049;
	[dreg:$0x1] =	wrdreg $0xFFFFFFFF  }
0xa7: {  	s28 =	simm.s32 $_size_execute0_lowered;
	s2 =	sadd.s32 s2, s4;
	[dreg:$0x0] =	wrdreg $0x0  }
0xa8: {  	s4 =	sshll.u32 s28, $0x1;
	[dreg:$0x2] =	wrdreg s2  }
0xa9: {  	[dreg:$0x3] =	wrdreg s4  }
0xaa: {  	[dreg:$0x4] =	wrdreg $0xC0  }
0xab: {  	_ =	task [dreg:s6], $0x5FFFF  }
0xac: {  	[dreg:$0x1] =	wrdreg $0xFFFFFFFF  }
0xad: {  	[dreg:$0x0] =	wrdreg $0x60  }
0xae: {  	[dreg:$0x2] =	wrdreg s24  }
0xaf: {  	[dreg:$0x3] =	wrdreg $0x11000  }
0xb0: {  	[dreg:$0x4] =	wrdreg $0x9  }
0xb1: {  	_ =	task.clear_ibuf [dreg:s6], $0x5FFFF;
	_ =	strace $0x90000049  }
0xb2: {  	s29 =	simm.s32 $0x9;
	_ =	strace $0x8000004B  }
0xb3: {  	_ =	swait.ge [sflag:s29], $0x1  }
0xb4: {  	[sflag:s29] =	ssyncadd.s32 $0xFFFFFFFF  }
0xb5: {  	_ =	strace $0x9000004B  }
0xb6: {  	_ =	sfence  }
0xb7: {  	s30 =	sld [smem:$0x0];
	_ =	sdelay $0x2  }
0xb8: {  	s31 =	sshll.u32 s1, $0xD;
	s1 =	sshrl.u32 s1, $0x2  }
0xb9: {  	s3 =	sand.u32 $0x4000, s31;
	s1 =	sadd.s32 s1, s30  }
0xba: {  	s0 =	sor.u32 s3, s0;
	s1 =	sshll.u32 s1, $0x11  }
0xbb: {  	s0 =	sor.u32 s1, s0  }
0xbc: {  	s0 =	sadd.s32 $0x8F2B, s0  }
0xbd: {  	[sflag:s0] =	ssyncadd.remote.s32 $0x1  }
0xbe: {  	_ =	sfence.sel $0xFFFF  }
0xbf: {  	[dreg:$0x0] =	wrdreg $0xFFFFFFFF;
	(pc) =	sbr.abs _section_cstart, $3  }
0xc0: {  	[dreg:$0x1] =	wrdreg $0xFFFFFFFF  }
0xc1: {  	_ =	task.clear_ibuf [dreg:s6], $0x2FFFF;
	_ =	strace $0x9FFFFFFF  }
0xc2: {  	(tm) =	ssettm $0x7FFFFFFF  }
0xc3: {  	_ =	shalt  }
tec
execute0_lowered:
.L_overlay_start_1:
0x0: {  	(tag) =	ssettag $0x1  }
0x1: {  	s8 =	rddreg [dreg:$0x0]  }
0x2: {  	s2 =	rddreg [dreg:$0x1]  }
0x3: {  	s0 =	rddreg [dreg:$0x2];
	s3 =	simm.s32 $0x0;
	s1 =	stileid.u32  }
0x4: {  	s7 =	srdreg.scid;
	s15 =	simm.s32 $0x2;
	s16 =	simm.s32 $0x80  }
0x5: {  	s17 =	simm.s32 $0x100;
	s18 =	simm.s32 $0x1;
	s19 =	simm.s32 $0x0  }
0x6: {  	[smem:$0x7FF] =	sst s3;
	s6 =	smul.u32 $0x1880, s1;
	s4 =	sadd.s32 $0x37A00, s8  }
0x7: {  	s5 =	sadd.s32 $0x6BA00, s8;
	s10 =	sand.u32 $0x1, s7;
	s11 =	smul.u32 $0x1A000, s1  }
0x8: {  	s7 =	sadd.s32 $0xBB800, s8;
	s31 =	sshll.u32 s1, $0x6;
	_ =	strace $0x8000004A  }
.Ltmp0:
0x9: {  	s9 =	ssub.s32 $0x2, s10;
	p0 =	seq.s32 s10, $0x1;
	(pc) =	sbr.rel .LBB2_1-.Ltmp0, $4  }
0xa: {  	s13 =	sadd.s32 s6, s8;
	s6 =	sadd.s32 $0x9FA00, s8;
	s8 =	sadd.s32 $0xEF800, s8  }
0xb: {  	s12 =	sshrl.u32 s9, $0x1;
	s14 =	sadd.s32 s11, s2;
	s10 =	sshrl.u32 s11, $0x3  }
0xc: {  	s12 =	ssub.s32 s9, s12;
	s9 =	sor.u32 $0x1C02, s31;
	s14 =	sshrl.u32 s14, $0x3  }
0xd: {  	s11 =	smax.u32 s12, $0x1;
	s12 =	sadd.s32 $0x1F200, s13;
	s13 =	sadd.s32 $0xA3000, s13  }
.LBB2_7:
0xe: {  	s21 =	sadd.s32 s20, s13;
	[sflag:s15] =	ssyncadd.s32 $0xFFFFF000  }
0xf: {  	[tilespmem:s3], [sflag:$0x2] =	stream.linear.gather [hbm4b:s21+s3], $0x80, $0x38;
	[tilespmem:$0x1B100] =	vst v63  }
0x10: {  	_ =	swait.ge [sflag:s15], $0x80  }
0x11: {  	[sflag:s15] =	ssyncset.done $0x0  }
0x12: {  	s31 =	sadd.s32 s20, s12;
	[sflag:s15] =	ssyncadd.s32 $0xFFFFFF80  }
0x13: {  	[tilespmem:s16], [sflag:$0x2] =	stream.linear.gather [hbm4b:s31+s3], $0x80, $0x38;
	[tilespmem:$0x1B100] =	vst v63  }
0x14: {  	_ =	swait.ge [sflag:s15], $0x80  }
0x15: {  	[sflag:s15] =	ssyncset.done $0x0  }
0x16: {  	[sflag:s15] =	ssyncadd.s32 $0xFFFFFF80  }
0x17: {  	[tilespmem:s17], [sflag:$0x1] =	stream.indirect.gather [hbm4b:s5+s16], $0x20, s3, s16, $0xb8;
	[tilespmem:$0x1B100] =	vst v63  }
0x18: {  	_ =	swait.ge [sflag:s18], $0x1000  }
0x19: {  	[sflag:s18] =	ssyncset.done $0x0  }
0x1a: {  	[sflag:s18] =	ssyncadd.s32 $0xFFFFF000  }
0x1b: {  	[spmem:s2] =	stream.indirect.scatter.add.f32 [tilespmem:s17], [sflag:$0x2], $0x20, s16, s16, $0xb8;
	[tilespmem:$0x1B100] =	vst v63  }
0x1c: {  	_ =	swait.ge [sflag:s15], $0x1000  }
0x1d: {  	[sflag:s15] =	ssyncset.done $0x0  }
0x1e: {  	s20 =	smov.u32 s8;
	[sflag:s15] =	ssyncadd.s32 $0xFFFFF000  }
.LBB2_8:
0x1f: {  	s19 =	sadd.s32 $0x1, s19  }
0x20: {  	p1 =	sne.s32 s19, s11  }
.Ltmp1:
0x21: {  	s20 =	sadd.s32 s20, s10;
	[bflag:$0x0] =	sbarrier.arrive $0xFFFF;
	(pc) =	sbr.rel @!p1 .LBB2_9-.Ltmp1, $4  }
0x22: {  	[hbm:s20], [sflag:s9] =	dma.local [spmem:s14], $0x3400  }
0x23: {  	_ =	swait.ge [sflag:s15], $0x3400  }
0x24: {  	[sflag:s15] =	ssyncset.done $0x0  }
0x25: {  	[sflag:s15] =	ssyncadd.s32 $0xFFFFCC00  }
.LBB2_1:
0x26: {  	[spmem:s14], [sflag:s9] =	dma.local [hbm:s6], $0x3400  }
.Ltmp2:
0x27: {  	_ =	swait.ge [sflag:s15], $0x3400;
	(pc) =	sbr.rel @!p0 .LBB2_2-.Ltmp2, $4  }
0x28: {  	[sflag:s15] =	ssyncset.done $0x0  }
0x29: {  	[sflag:s15] =	ssyncadd.s32 $0xFFFFCC00  }
0x2a: {  	[bflag:$0x0] =	sbarrier.arrive $0xFFFF  }
0x2b: {  	s20 =	sadd.s32 $0x0, s13  }
0x2c: {  	[tilespmem:s3], [sflag:$0x2] =	stream.linear.gather [hbm4b:s20+s3], $0x80, $0x38;
	[tilespmem:$0x1B100] =	vst v63  }
0x2d: {  	_ =	swait.ge [sflag:s15], $0x80  }
0x2e: {  	[sflag:s15] =	ssyncset.done $0x0  }
0x2f: {  	s31 =	sadd.s32 $0x0, s12;
	[sflag:s15] =	ssyncadd.s32 $0xFFFFFF80  }
0x30: {  	[tilespmem:s16], [sflag:$0x2] =	stream.linear.gather [hbm4b:s31+s3], $0x80, $0x38;
	[tilespmem:$0x1B100] =	vst v63  }
0x31: {  	_ =	swait.ge [sflag:s15], $0x80  }
0x32: {  	[sflag:s15] =	ssyncset.done $0x0  }
0x33: {  	[sflag:s15] =	ssyncadd.s32 $0xFFFFFF80  }
0x34: {  	[tilespmem:s17], [sflag:$0x1] =	stream.indirect.gather [hbm4b:s5+s16], $0x20, s3, s16, $0xb8;
	[tilespmem:$0x1B100] =	vst v63  }
0x35: {  	_ =	swait.ge [sflag:s18], $0x1000  }
0x36: {  	[sflag:s18] =	ssyncset.done $0x0  }
0x37: {  	[sflag:s18] =	ssyncadd.s32 $0xFFFFF000  }
0x38: {  	[spmem:s2] =	stream.indirect.scatter.add.f32 [tilespmem:s17], [sflag:$0x2], $0x20, s16, s16, $0xb8;
	[tilespmem:$0x1B100] =	vst v63  }
0x39: {  	_ =	swait.ge [sflag:s15], $0x1000  }
0x3a: {  	s20 =	simm.s32 $0x10;
	s21 =	simm.s32 $0x20;
	[sflag:s15] =	ssyncset.done $0x0  }
.LBB2_6:
0x3b: {  	s22 =	sadd.s32 s20, s13  }
0x3c: {  	[sflag:s15] =	ssyncadd.s32 $0xFFFFF000;
	s23 =	smov.u32 s21;
	s24 =	sadd.s32 $0x10, s21  }
0x3d: {  	[tilespmem:s3], [sflag:$0x2] =	stream.linear.gather [hbm4b:s22+s3], $0x80, $0x38;
	[tilespmem:$0x1B100] =	vst v63  }
0x3e: {  	p1 =	sne.s32 s21, $0x1870;
	_ =	swait.ge [sflag:s15], $0x80  }
0x3f: {  	[sflag:s15] =	ssyncset.done $0x0  }
0x40: {  	s21 =	sadd.s32 s20, s12;
	s20 =	smov.u32 s23;
	[sflag:s15] =	ssyncadd.s32 $0xFFFFFF80  }
0x41: {  	[tilespmem:s16], [sflag:$0x2] =	stream.linear.gather [hbm4b:s21+s3], $0x80, $0x38;
	[tilespmem:$0x1B100] =	vst v63  }
0x42: {  	_ =	swait.ge [sflag:s15], $0x80  }
0x43: {  	[sflag:s15] =	ssyncset.done $0x0  }
0x44: {  	[sflag:s15] =	ssyncadd.s32 $0xFFFFFF80  }
0x45: {  	[tilespmem:s17], [sflag:$0x1] =	stream.indirect.gather [hbm4b:s5+s16], $0x20, s3, s16, $0xb8;
	[tilespmem:$0x1B100] =	vst v63  }
0x46: {  	_ =	swait.ge [sflag:s18], $0x1000  }
.Ltmp3:
0x47: {  	[sflag:s18] =	ssyncset.done $0x0;
	(pc) =	sbr.rel @p1 .LBB2_6-.Ltmp3, $4  }
0x48: {  	[sflag:s18] =	ssyncadd.s32 $0xFFFFF000  }
0x49: {  	[spmem:s2] =	stream.indirect.scatter.add.f32 [tilespmem:s17], [sflag:$0x2], $0x20, s16, s16, $0xb8;
	[tilespmem:$0x1B100] =	vst v63  }
0x4a: {  	_ =	swait.ge [sflag:s15], $0x1000  }
0x4b: {  	s21 =	smov.u32 s24;
	[sflag:s15] =	ssyncset.done $0x0  }
.Ltmp4:
0x4c: {  	_ = 	snop;
	(pc) =	sbr.rel .LBB2_7-.Ltmp4, $1  }
0x4d: {  	_ =	sdelay $0x3  }
.LBB2_2:
0x4e: {  	[tilespmem:s3], [sflag:$0x2] =	stream.linear.gather [hbm4b:s20+s3], $0x80, $0x38;
	[tilespmem:$0x1B100] =	vst v63  }
0x4f: {  	_ =	swait.ge [sflag:s15], $0x80  }
0x50: {  	[sflag:s15] =	ssyncset.done $0x0  }
0x51: {  	s31 =	sadd.s32 $0x0, s12;
	[sflag:s15] =	ssyncadd.s32 $0xFFFFFF80  }
0x52: {  	[tilespmem:s16], [sflag:$0x2] =	stream.linear.gather [hbm4b:s31+s3], $0x80, $0x38;
	[tilespmem:$0x1B100] =	vst v63  }
0x53: {  	_ =	swait.ge [sflag:s15], $0x80  }
0x54: {  	[sflag:s15] =	ssyncset.done $0x0  }
0x55: {  	[sflag:s15] =	ssyncadd.s32 $0xFFFFFF80  }
0x56: {  	[tilespmem:s17], [sflag:$0x1] =	stream.indirect.gather [hbm4b:s4+s16], $0x20, s3, s16, $0xb8;
	[tilespmem:$0x1B100] =	vst v63  }
0x57: {  	_ =	swait.ge [sflag:s18], $0x1000  }
0x58: {  	[sflag:s18] =	ssyncset.done $0x0  }
0x59: {  	[sflag:s18] =	ssyncadd.s32 $0xFFFFF000  }
0x5a: {  	[spmem:s2] =	stream.indirect.scatter.add.f32 [tilespmem:s17], [sflag:$0x2], $0x20, s16, s16, $0xb8;
	[tilespmem:$0x1B100] =	vst v63  }
0x5b: {  	_ =	swait.ge [sflag:s15], $0x1000  }
0x5c: {  	s20 =	simm.s32 $0x10;
	s21 =	simm.s32 $0x20;
	[sflag:s15] =	ssyncset.done $0x0  }
.LBB2_3:
0x5d: {  	s22 =	sadd.s32 s20, s13  }
0x5e: {  	[sflag:s15] =	ssyncadd.s32 $0xFFFFF000;
	s23 =	smov.u32 s21;
	s24 =	sadd.s32 $0x10, s21  }
0x5f: {  	[tilespmem:s3], [sflag:$0x2] =	stream.linear.gather [hbm4b:s22+s3], $0x80, $0x38;
	[tilespmem:$0x1B100] =	vst v63  }
0x60: {  	p1 =	seq.s32 s21, $0x1870;
	_ =	swait.ge [sflag:s15], $0x80  }
0x61: {  	[sflag:s15] =	ssyncset.done $0x0  }
0x62: {  	s21 =	sadd.s32 s20, s12;
	s20 =	smov.u32 s23;
	[sflag:s15] =	ssyncadd.s32 $0xFFFFFF80  }
0x63: {  	[tilespmem:s16], [sflag:$0x2] =	stream.linear.gather [hbm4b:s21+s3], $0x80, $0x38;
	[tilespmem:$0x1B100] =	vst v63  }
0x64: {  	_ =	swait.ge [sflag:s15], $0x80  }
0x65: {  	[sflag:s15] =	ssyncset.done $0x0  }
0x66: {  	[sflag:s15] =	ssyncadd.s32 $0xFFFFFF80  }
0x67: {  	[tilespmem:s17], [sflag:$0x1] =	stream.indirect.gather [hbm4b:s4+s16], $0x20, s3, s16, $0xb8;
	[tilespmem:$0x1B100] =	vst v63  }
0x68: {  	_ =	swait.ge [sflag:s18], $0x1000  }
.Ltmp5:
0x69: {  	[sflag:s18] =	ssyncset.done $0x0;
	(pc) =	sbr.rel @!p1 .LBB2_3-.Ltmp5, $4  }
0x6a: {  	[sflag:s18] =	ssyncadd.s32 $0xFFFFF000  }
0x6b: {  	[spmem:s2] =	stream.indirect.scatter.add.f32 [tilespmem:s17], [sflag:$0x2], $0x20, s16, s16, $0xb8;
	[tilespmem:$0x1B100] =	vst v63  }
0x6c: {  	_ =	swait.ge [sflag:s15], $0x1000  }
0x6d: {  	s21 =	smov.u32 s24;
	[sflag:s15] =	ssyncset.done $0x0  }
0x6e: {  	s21 =	sadd.s32 s20, s13;
	[sflag:s15] =	ssyncadd.s32 $0xFFFFF000  }
0x6f: {  	[tilespmem:s3], [sflag:$0x2] =	stream.linear.gather [hbm4b:s21+s3], $0x80, $0x38;
	[tilespmem:$0x1B100] =	vst v63  }
0x70: {  	_ =	swait.ge [sflag:s15], $0x80  }
0x71: {  	[sflag:s15] =	ssyncset.done $0x0  }
0x72: {  	s31 =	sadd.s32 s20, s12;
	[sflag:s15] =	ssyncadd.s32 $0xFFFFFF80  }
0x73: {  	[tilespmem:s16], [sflag:$0x2] =	stream.linear.gather [hbm4b:s31+s3], $0x80, $0x38;
	[tilespmem:$0x1B100] =	vst v63  }
0x74: {  	_ =	swait.ge [sflag:s15], $0x80  }
0x75: {  	[sflag:s15] =	ssyncset.done $0x0  }
0x76: {  	[sflag:s15] =	ssyncadd.s32 $0xFFFFFF80  }
0x77: {  	[tilespmem:s17], [sflag:$0x1] =	stream.indirect.gather [hbm4b:s4+s16], $0x20, s3, s16, $0xb8;
	[tilespmem:$0x1B100] =	vst v63  }
0x78: {  	_ =	swait.ge [sflag:s18], $0x1000  }
0x79: {  	[sflag:s18] =	ssyncset.done $0x0  }
.Ltmp6:
0x7a: {  	[sflag:s18] =	ssyncadd.s32 $0xFFFFF000;
	(pc) =	sbr.rel .LBB2_8-.Ltmp6, $4  }
0x7b: {  	[spmem:s2] =	stream.indirect.scatter.add.f32 [tilespmem:s17], [sflag:$0x2], $0x20, s16, s16, $0xb8;
	[tilespmem:$0x1B100] =	vst v63  }
0x7c: {  	_ =	swait.ge [sflag:s15], $0x1000  }
0x7d: {  	[sflag:s15] =	ssyncset.done $0x0  }
0x7e: {  	s20 =	smov.u32 s7;
	[sflag:s15] =	ssyncadd.s32 $0xFFFFF000  }
.LBB2_9:
0x7f: {  	_ =	sfence.sel $0x180000  }
0x80: {  	[bflag:$0x0] =	sbarrier.arrive $0xFFFF  }
0x81: {  	p0 =	sne.s32 s1, $0x0;
	_ =	strace $0x9000004A  }
0x82: {  	s0 =	sadd.s32 @!p0 $0x100000, s0;
	[bflag:$0x2] =	sbarrier.arrive $0xFFFF  }
0x83: {  	[sflag:s0] =	ssyncadd.tile.s32 @!p0 $0x1;
	_ =	shalt  }
.Lfunc_end2:
_tile_overlayer_lowered:
.L_overlay_start_2:
0x84: {  	(tag) =	ssettag $0x2  }
0x85: {  	s0 =	rddreg [dreg:$0x0];
	s2 =	stileid.u32  }
0x86: {  	s1 =	rddreg [dreg:$0x1];
	p0 =	sne.s32 s2, $0x0  }
0x87: {  	s3 =	rddreg [dreg:$0x2];
	[bflag:$0x3] =	sbarrier.arrive $0xFFFF;
	s2 =	simm.s32 @!p0 $0x1C02  }
0x88: {  	[timem:s3], [sflag:s2] =	dma.local @!p0 [hbm:s0], s1  }
0x89: {  	s0 =	simm.s32 @!p0 $0x2  }
0x8a: {  	_ =	swait.ge @!p0 [sflag:s0], s1  }
0x8b: {  	s1 =	ssub.s32 @!p0 $0x0, s1;
	[sflag:s0] =	ssyncset.done @!p0 $0x0  }
0x8c: {  	[sflag:s0] =	ssyncadd.s32 @!p0 s1  }
0x8d: {  	[bflag:$0x3] =	sbarrier.arrive $0xFFFF  }
0x8e: {  	_ =	shalt  }

// kernel: _run.14.cloned.1.call-start
scs
__scs_entry_jumppad:
0x0: {  	(pc) =	sbr.rel $0x88, $3  }
0x1: {  	(tag) =	ssettag $0x0;
	lr =	simm.s32 $0x1  }
0x2: {  	[smem:$0x3F96] =	sst lr;
	_ =	strace $0xD0000000  }
0x3: {  	_ = 	snop  }
0x4: {  	_ = 	snop  }
0x5: {  	_ = 	snop  }
0x6: {  	_ = 	snop  }
0x7: {  	_ = 	snop  }
__scs_overlays_trampoline_lowered:
0x8: {  	[smem:$0x3FA5] =	sst s0  }
0x9: {  	[smem:$0x3FA6] =	sst s1  }
0xa: {  	[smem:$0x3FA7] =	sst s2  }
0xb: {  	[smem:$0x3FA8] =	sst s3  }
0xc: {  	[smem:$0x3FA9] =	sst s4  }
0xd: {  	[smem:$0x3FAA] =	sst s5  }
0xe: {  	[smem:$0x3FAB] =	sst s6  }
0xf: {  	[smem:$0x3FAC] =	sst s7  }
0x10: {  	[smem:$0x3FAD] =	sst s8  }
0x11: {  	[smem:$0x3FAE] =	sst s9;
	s0 =	simm.s32 @!p0 $0x0  }
0x12: {  	s1 =	sld [smem:$0x3F94];
	s0 =	simm.s32 @p0 $0x1  }
0x13: {  	[smem:$0x3FAF] =	sst s0;
	s0 =	simm.s32 @!p1 $0x0  }
0x14: {  	s2 =	sld [smem:$0x3F93];
	s0 =	simm.s32 @p1 $0x1  }
0x15: {  	[smem:$0x3FB0] =	sst s0;
	s0 =	simm.s32 @!p2 $0x0  }
0x16: {  	s3 =	sld [smem:$0x3FDB];
	s0 =	simm.s32 @p2 $0x1  }
0x17: {  	s4 =	simm.s32 $0x1BF5;
	[smem:$0x3FB2] =	sst s0  }
0x18: {  	s0 =	sld [smem:$0x3F95];
	_ =	swait.ge [sflag:s4], $0x0  }
0x19: {  	s7 =	sld [smem:$0x3F96]  }
0x1a: {  	s8 =	sadd.s32 $0xFFFFE003, lr  }
0x1b: {  	s9 =	sadd.s32 $0xFFFFFEF7, lr;
	s5 =	simm.s32 $0xFFFFFFFF;
	p2 =	slt.u32 s8, $0xFFFFF086  }
0x1c: {  	p1 =	slt.u32 s9, $0xF7A;
	s5 =	simm.s32 @!p2 $0x0  }
0x1d: {  	s5 =	simm.s32 @p1 $0x1;
	p0 =	seq.s32 s7, s2  }
0x1e: {  	s7 =	smul.u32 @!p0 $0xF7A, s2;
	p2 =	seq.s32 @!p0 s5, $0x0  }
0x1f: {  	s9 =	smul.u32 $0xF7A, s1;
	s8 =	simm.s32 @!p0 $0x1BF5;
	p2 =	por !p2, p0  }
0x20: {  	[sflag:s8] =	ssyncset.s32 @!p0 $0xFFFFF086;
	s6 =	sadd.s32 @!p0 s3, s7;
	s7 =	simm.s32 @!p0 $0x108  }
0x21: {  	s3 =	sadd.s32 s3, s9;
	s6 =	sadd.s32 @!p0 $0x88, s6;
	s7 =	simm.s32 @p2 $0x1082  }
0x22: {  	[simem:s7], [sflag:s8] =	dma.local @!p0 [hbm:s6], $0xF7A  }
0x23: {  	s9 =	sor.u32 $0xD0000000, s2;
	s6 =	simm.s32 $0x108;
	_ =	swait.ge @!p0 [sflag:s8], $0x0  }
0x24: {  	s3 =	sadd.s32 $0x88, s3;
	s6 =	simm.s32 @!p1 $0x1082;
	[sflag:s4] =	ssyncset.s32 $0xFFFFF086  }
0x25: {  	[simem:s6], [sflag:s4] =	dma.local [hbm:s3], $0xF7A  }
0x26: {  	[smem:$0x3F96] =	sst s1;
	(tag) =	ssettag s2;
	_ =	strace s9  }
0x27: {  	s1 =	sld [smem:$0x3FA6]  }
0x28: {  	s2 =	sld [smem:$0x3FA7]  }
0x29: {  	s4 =	sld [smem:$0x3FA9]  }
0x2a: {  	p0 =	seq.s32 s5, $0x0;
	s5 =	sld [smem:$0x3FAA]  }
0x2b: {  	s6 =	sld [smem:$0x3FAB]  }
0x2c: {  	s7 =	sld [smem:$0x3FAC]  }
0x2d: {  	s3 =	simm.s32 $0x108;
	s8 =	sld [smem:$0x3FAD]  }
0x2e: {  	s3 =	simm.s32 @!p0 $0x1082;
	s9 =	sld [smem:$0x3FAE]  }
0x2f: {  	lr =	sadd.s32 s0, s3;
	s0 =	sld [smem:$0x3FA5]  }
0x30: {  	s3 =	sld [smem:$0x3FA8]  }
0x31: {  	[smem:$0x3FB1] =	sst s10  }
0x32: {  	s10 =	sld [smem:$0x3FAF];
	_ =	sdelay $0x3  }
0x33: {  	p0 =	seq.s32 s10, $0x1;
	s10 =	sld [smem:$0x3FB1];
	_ =	sdelay $0x3  }
0x34: {  	[smem:$0x3FB1] =	sst s10  }
0x35: {  	s10 =	sld [smem:$0x3FB0];
	_ =	sdelay $0x3  }
0x36: {  	p1 =	seq.s32 s10, $0x1;
	s10 =	sld [smem:$0x3FB1];
	_ =	sdelay $0x3  }
0x37: {  	[smem:$0x3FB1] =	sst s10  }
0x38: {  	s10 =	sld [smem:$0x3FB2]  }
0x39: {  	_ = 	snop;
	(pc) =	sbr.ind lr, $3  }
0x3a: {  	_ = 	snop  }
0x3b: {  	_ = 	snop  }
0x3c: {  	p2 =	seq.s32 s10, $0x1;
	s10 =	sld [smem:$0x3FB1]  }
0x3d: {  	_ =	shalt  }
0x3e: {  	_ =	shalt  }
0x3f: {  	_ =	shalt  }
0x40: {  	_ =	shalt  }
0x41: {  	_ =	shalt  }
0x42: {  	_ =	shalt  }
0x43: {  	_ =	shalt  }
0x44: {  	_ =	shalt  }
0x45: {  	_ =	shalt  }
0x46: {  	_ =	shalt  }
0x47: {  	_ =	shalt  }
0x48: {  	_ =	shalt  }
0x49: {  	_ =	shalt  }
0x4a: {  	_ =	shalt  }
0x4b: {  	_ =	shalt  }
0x4c: {  	_ =	shalt  }
0x4d: {  	_ =	shalt  }
0x4e: {  	_ =	shalt  }
0x4f: {  	_ =	shalt  }
0x50: {  	_ =	shalt  }
0x51: {  	_ =	shalt  }
0x52: {  	_ =	shalt  }
0x53: {  	_ =	shalt  }
0x54: {  	_ =	shalt  }
0x55: {  	_ =	shalt  }
0x56: {  	_ =	shalt  }
0x57: {  	_ =	shalt  }
0x58: {  	_ =	shalt  }
0x59: {  	_ =	shalt  }
0x5a: {  	_ =	shalt  }
0x5b: {  	_ =	shalt  }
0x5c: {  	_ =	shalt  }
0x5d: {  	_ =	shalt  }
0x5e: {  	_ =	shalt  }
0x5f: {  	_ =	shalt  }
0x60: {  	_ =	shalt  }
0x61: {  	_ =	shalt  }
0x62: {  	_ =	shalt  }
0x63: {  	_ =	shalt  }
0x64: {  	_ =	shalt  }
0x65: {  	_ =	shalt  }
0x66: {  	_ =	shalt  }
0x67: {  	_ =	shalt  }
0x68: {  	_ =	shalt  }
0x69: {  	_ =	shalt  }
0x6a: {  	_ =	shalt  }
0x6b: {  	_ =	shalt  }
0x6c: {  	_ =	shalt  }
0x6d: {  	_ =	shalt  }
0x6e: {  	_ =	shalt  }
0x6f: {  	_ =	shalt  }
0x70: {  	_ =	shalt  }
0x71: {  	_ =	shalt  }
0x72: {  	_ =	shalt  }
0x73: {  	_ =	shalt  }
0x74: {  	_ =	shalt  }
0x75: {  	_ =	shalt  }
0x76: {  	_ =	shalt  }
0x77: {  	_ =	shalt  }
0x78: {  	_ =	shalt  }
0x79: {  	_ =	shalt  }
0x7a: {  	_ =	shalt  }
0x7b: {  	_ =	shalt  }
0x7c: {  	_ =	shalt  }
0x7d: {  	_ =	shalt  }
0x7e: {  	_ =	shalt  }
0x7f: {  	_ =	shalt  }
0x80: {  	_ =	shalt  }
0x81: {  	_ =	shalt  }
0x82: {  	_ =	shalt  }
0x83: {  	_ =	shalt  }
0x84: {  	_ =	shalt  }
0x85: {  	_ =	shalt  }
0x86: {  	_ =	shalt  }
0x87: {  	_ =	shalt  }
.Lfunc_end0:
.L_simem_size_0:
called_computation.2_lowered:
.L_overlay_start_0:
0x88: {  	s2 =	sld [smem:$0x3FD9]  }
0x89: {  	s3 =	sld [smem:$0x3FFE];
	_ =	sdelay $0x1  }
0x8a: {  	s1 =	srdreg.scid  }
0x8b: {  	s0 =	sand.u32 $0x1, s1  }
0x8c: {  	s16 =	sshll.u32 s0, $0xA;
	s2 =	sadd.s32 s3, s2  }
0x8d: {  	s2 =	sadd.s32 s2, s16  }
0x8e: {  	[smem:$0x3FBD] =	sst s2  }
0x8f: {  	_ = 	snop  }
0x90: {  	(tm) =	ssettm $0x1  }
0x91: {  	s17 =	sld [smem:$0x3FFB];
	_ =	sdelay $0x3  }
0x92: {  	_ =	strace s17  }
0x93: {  	s2 =	sld [smem:$0x3FFC];
	_ =	sdelay $0x3  }
0x94: {  	_ =	strace s2  }
0x95: {  	s2 =	sld [smem:$0x3FFD];
	_ =	sdelay $0x3  }
0x96: {  	_ =	strace s2  }
0x97: {  	_ =	strace $0x8FFFFFFF  }
0x98: {  	s18 =	sld [smem:$0x3FDB];
	_ =	sdelay $0x1  }
0x99: {  	s19 =	simm.s32 $_scs_section_size  }
0x9a: {  	s4 =	simm.s32 $_size__tile_overlayer_lowered;
	s5 =	simm.s32 $_tile_overlayer_lowered  }
0x9b: {  	s22 =	simm.s32 $0x1BFF;
	s21 =	sshll.u32 s5, $0x1;
	s2 =	sadd.s32 s19, s18  }
0x9c: {  	s6 =	simm.s32 $0x0;
	s20 =	sshll.u32 s4, $0x1;
	s4 =	sadd.s32 s21, s2  }
0x9d: {  	[timem:s6], [sflag:s22] =	dma.local [hbm:s4], s20  }
0x9e: {  	_ =	swait.ge [sflag:s22], s20  }
0x9f: {  	s3 =	ssub.s32 $0x0, s20;
	[sflag:s22] =	ssyncset.done $0x0  }
0xa0: {  	[sflag:s22] =	ssyncadd.s32 s3;
	_ =	sdelay $0x1  }
0xa1: {  	s23 =	simm.s32 $0x1B8B  }
0xa2: {  	_ =	swait.ge [sflag:s23], $0x1  }
0xa3: {  	[sflag:s23] =	ssyncset.done $0x0  }
0xa4: {  	s25 =	simm.s32 $0x1B8E;
	s24 =	sld [smem:$0x3FFE];
	[sflag:s23] =	ssyncadd.s32 $0xFFFFFFFF  }
0xa5: {  	s26 =	simm.s32 $execute0_lowered;
	[smem:$0x3FD2] =	sst s25  }
0xa6: {  	s4 =	sshll.u32 s26, $0x1;
	_ =	strace $0x8000004C;
	[dreg:$0x1] =	wrdreg $0xFFFFFFFF  }
0xa7: {  	s28 =	simm.s32 $_size_execute0_lowered;
	s2 =	sadd.s32 s2, s4;
	[dreg:$0x0] =	wrdreg $0x0  }
0xa8: {  	s4 =	sshll.u32 s28, $0x1;
	[dreg:$0x2] =	wrdreg s2  }
0xa9: {  	[dreg:$0x3] =	wrdreg s4  }
0xaa: {  	[dreg:$0x4] =	wrdreg $0xC0  }
0xab: {  	_ =	task [dreg:s6], $0x5FFFF  }
0xac: {  	[dreg:$0x1] =	wrdreg $0xFFFFFFFF  }
0xad: {  	[dreg:$0x0] =	wrdreg $0x60  }
0xae: {  	[dreg:$0x2] =	wrdreg s24  }
0xaf: {  	[dreg:$0x3] =	wrdreg $0x11000  }
0xb0: {  	[dreg:$0x4] =	wrdreg $0x9  }
0xb1: {  	_ =	task.clear_ibuf [dreg:s6], $0x5FFFF;
	_ =	strace $0x9000004C  }
0xb2: {  	s29 =	simm.s32 $0x9;
	_ =	strace $0x8000004E  }
0xb3: {  	_ =	swait.ge [sflag:s29], $0x1  }
0xb4: {  	[sflag:s29] =	ssyncadd.s32 $0xFFFFFFFF  }
0xb5: {  	_ =	strace $0x9000004E  }
0xb6: {  	_ =	sfence  }
0xb7: {  	s30 =	sld [smem:$0x0];
	_ =	sdelay $0x2  }
0xb8: {  	s31 =	sshll.u32 s1, $0xD;
	s1 =	sshrl.u32 s1, $0x2  }
0xb9: {  	s3 =	sand.u32 $0x4000, s31;
	s1 =	sadd.s32 s1, s30  }
0xba: {  	s0 =	sor.u32 s3, s0;
	s1 =	sshll.u32 s1, $0x11  }
0xbb: {  	s0 =	sor.u32 s1, s0  }
0xbc: {  	s0 =	sadd.s32 $0x8F2B, s0  }
0xbd: {  	[sflag:s0] =	ssyncadd.remote.s32 $0x1  }
0xbe: {  	_ =	sfence.sel $0xFFFF  }
0xbf: {  	[dreg:$0x0] =	wrdreg $0xFFFFFFFF;
	(pc) =	sbr.abs _section_cstart, $3  }
0xc0: {  	[dreg:$0x1] =	wrdreg $0xFFFFFFFF  }
0xc1: {  	_ =	task.clear_ibuf [dreg:s6], $0x2FFFF;
	_ =	strace $0x9FFFFFFF  }
0xc2: {  	(tm) =	ssettm $0x7FFFFFFF  }
0xc3: {  	_ =	shalt  }
tec
execute0_lowered:
.L_overlay_start_1:
0x0: {  	(tag) =	ssettag $0x1  }
0x1: {  	s8 =	rddreg [dreg:$0x0]  }
0x2: {  	s2 =	rddreg [dreg:$0x1]  }
0x3: {  	s0 =	rddreg [dreg:$0x2];
	s3 =	simm.s32 $0x0;
	s1 =	stileid.u32  }
0x4: {  	s7 =	srdreg.scid;
	s15 =	simm.s32 $0x2;
	s16 =	simm.s32 $0x80  }
0x5: {  	s17 =	simm.s32 $0x100;
	s18 =	simm.s32 $0x1;
	s19 =	simm.s32 $0x0  }
0x6: {  	[smem:$0x7FF] =	sst s3;
	s6 =	smul.u32 $0x1880, s1;
	s4 =	sadd.s32 $0x37A00, s8  }
0x7: {  	s5 =	sadd.s32 $0x6BA00, s8;
	s10 =	sand.u32 $0x1, s7;
	s11 =	smul.u32 $0x1A000, s1  }
0x8: {  	s7 =	sadd.s32 $0xBB800, s8;
	s31 =	sshll.u32 s1, $0x6;
	_ =	strace $0x8000004D  }
.Ltmp0:
0x9: {  	s9 =	ssub.s32 $0x2, s10;
	p0 =	seq.s32 s10, $0x1;
	(pc) =	sbr.rel .LBB2_1-.Ltmp0, $4  }
0xa: {  	s13 =	sadd.s32 s6, s8;
	s6 =	sadd.s32 $0x9FA00, s8;
	s8 =	sadd.s32 $0xEF800, s8  }
0xb: {  	s12 =	sshrl.u32 s9, $0x1;
	s14 =	sadd.s32 s11, s2;
	s10 =	sshrl.u32 s11, $0x3  }
0xc: {  	s12 =	ssub.s32 s9, s12;
	s9 =	sor.u32 $0x1C02, s31;
	s14 =	sshrl.u32 s14, $0x3  }
0xd: {  	s11 =	smax.u32 s12, $0x1;
	s12 =	sadd.s32 $0x1F200, s13;
	s13 =	sadd.s32 $0xA3000, s13  }
.LBB2_7:
0xe: {  	s21 =	sadd.s32 s20, s13;
	[sflag:s15] =	ssyncadd.s32 $0xFFFFF000  }
0xf: {  	[tilespmem:s3], [sflag:$0x2] =	stream.linear.gather [hbm4b:s21+s3], $0x80, $0x38;
	[tilespmem:$0x1B100] =	vst v63  }
0x10: {  	_ =	swait.ge [sflag:s15], $0x80  }
0x11: {  	[sflag:s15] =	ssyncset.done $0x0  }
0x12: {  	s31 =	sadd.s32 s20, s12;
	[sflag:s15] =	ssyncadd.s32 $0xFFFFFF80  }
0x13: {  	[tilespmem:s16], [sflag:$0x2] =	stream.linear.gather [hbm4b:s31+s3], $0x80, $0x38;
	[tilespmem:$0x1B100] =	vst v63  }
0x14: {  	_ =	swait.ge [sflag:s15], $0x80  }
0x15: {  	[sflag:s15] =	ssyncset.done $0x0  }
0x16: {  	[sflag:s15] =	ssyncadd.s32 $0xFFFFFF80  }
0x17: {  	[tilespmem:s17], [sflag:$0x1] =	stream.indirect.gather [hbm4b:s5+s16], $0x20, s3, s16, $0xb8;
	[tilespmem:$0x1B100] =	vst v63  }
0x18: {  	_ =	swait.ge [sflag:s18], $0x1000  }
0x19: {  	[sflag:s18] =	ssyncset.done $0x0  }
0x1a: {  	[sflag:s18] =	ssyncadd.s32 $0xFFFFF000  }
0x1b: {  	[spmem:s2] =	stream.indirect.scatter.add.f32 [tilespmem:s17], [sflag:$0x2], $0x20, s16, s16, $0xb8;
	[tilespmem:$0x1B100] =	vst v63  }
0x1c: {  	_ =	swait.ge [sflag:s15], $0x1000  }
0x1d: {  	[sflag:s15] =	ssyncset.done $0x0  }
0x1e: {  	s20 =	smov.u32 s8;
	[sflag:s15] =	ssyncadd.s32 $0xFFFFF000  }
.LBB2_8:
0x1f: {  	s19 =	sadd.s32 $0x1, s19  }
0x20: {  	p1 =	sne.s32 s19, s11  }
.Ltmp1:
0x21: {  	s20 =	sadd.s32 s20, s10;
	[bflag:$0x0] =	sbarrier.arrive $0xFFFF;
	(pc) =	sbr.rel @!p1 .LBB2_9-.Ltmp1, $4  }
0x22: {  	[hbm:s20], [sflag:s9] =	dma.local [spmem:s14], $0x3400  }
0x23: {  	_ =	swait.ge [sflag:s15], $0x3400  }
0x24: {  	[sflag:s15] =	ssyncset.done $0x0  }
0x25: {  	[sflag:s15] =	ssyncadd.s32 $0xFFFFCC00  }
.LBB2_1:
0x26: {  	[spmem:s14], [sflag:s9] =	dma.local [hbm:s6], $0x3400  }
.Ltmp2:
0x27: {  	_ =	swait.ge [sflag:s15], $0x3400;
	(pc) =	sbr.rel @!p0 .LBB2_2-.Ltmp2, $4  }
0x28: {  	[sflag:s15] =	ssyncset.done $0x0  }
0x29: {  	[sflag:s15] =	ssyncadd.s32 $0xFFFFCC00  }
0x2a: {  	[bflag:$0x0] =	sbarrier.arrive $0xFFFF  }
0x2b: {  	s20 =	sadd.s32 $0x0, s13  }
0x2c: {  	[tilespmem:s3], [sflag:$0x2] =	stream.linear.gather [hbm4b:s20+s3], $0x80, $0x38;
	[tilespmem:$0x1B100] =	vst v63  }
0x2d: {  	_ =	swait.ge [sflag:s15], $0x80  }
0x2e: {  	[sflag:s15] =	ssyncset.done $0x0  }
0x2f: {  	s31 =	sadd.s32 $0x0, s12;
	[sflag:s15] =	ssyncadd.s32 $0xFFFFFF80  }
0x30: {  	[tilespmem:s16], [sflag:$0x2] =	stream.linear.gather [hbm4b:s31+s3], $0x80, $0x38;
	[tilespmem:$0x1B100] =	vst v63  }
0x31: {  	_ =	swait.ge [sflag:s15], $0x80  }
0x32: {  	[sflag:s15] =	ssyncset.done $0x0  }
0x33: {  	[sflag:s15] =	ssyncadd.s32 $0xFFFFFF80  }
0x34: {  	[tilespmem:s17], [sflag:$0x1] =	stream.indirect.gather [hbm4b:s5+s16], $0x20, s3, s16, $0xb8;
	[tilespmem:$0x1B100] =	vst v63  }
0x35: {  	_ =	swait.ge [sflag:s18], $0x1000  }
0x36: {  	[sflag:s18] =	ssyncset.done $0x0  }
0x37: {  	[sflag:s18] =	ssyncadd.s32 $0xFFFFF000  }
0x38: {  	[spmem:s2] =	stream.indirect.scatter.add.f32 [tilespmem:s17], [sflag:$0x2], $0x20, s16, s16, $0xb8;
	[tilespmem:$0x1B100] =	vst v63  }
0x39: {  	_ =	swait.ge [sflag:s15], $0x1000  }
0x3a: {  	s20 =	simm.s32 $0x10;
	s21 =	simm.s32 $0x20;
	[sflag:s15] =	ssyncset.done $0x0  }
.LBB2_6:
0x3b: {  	s22 =	sadd.s32 s20, s13  }
0x3c: {  	[sflag:s15] =	ssyncadd.s32 $0xFFFFF000;
	s23 =	smov.u32 s21;
	s24 =	sadd.s32 $0x10, s21  }
0x3d: {  	[tilespmem:s3], [sflag:$0x2] =	stream.linear.gather [hbm4b:s22+s3], $0x80, $0x38;
	[tilespmem:$0x1B100] =	vst v63  }
0x3e: {  	p1 =	sne.s32 s21, $0x1870;
	_ =	swait.ge [sflag:s15], $0x80  }
0x3f: {  	[sflag:s15] =	ssyncset.done $0x0  }
0x40: {  	s21 =	sadd.s32 s20, s12;
	s20 =	smov.u32 s23;
	[sflag:s15] =	ssyncadd.s32 $0xFFFFFF80  }
0x41: {  	[tilespmem:s16], [sflag:$0x2] =	stream.linear.gather [hbm4b:s21+s3], $0x80, $0x38;
	[tilespmem:$0x1B100] =	vst v63  }
0x42: {  	_ =	swait.ge [sflag:s15], $0x80  }
0x43: {  	[sflag:s15] =	ssyncset.done $0x0  }
0x44: {  	[sflag:s15] =	ssyncadd.s32 $0xFFFFFF80  }
0x45: {  	[tilespmem:s17], [sflag:$0x1] =	stream.indirect.gather [hbm4b:s5+s16], $0x20, s3, s16, $0xb8;
	[tilespmem:$0x1B100] =	vst v63  }
0x46: {  	_ =	swait.ge [sflag:s18], $0x1000  }
.Ltmp3:
0x47: {  	[sflag:s18] =	ssyncset.done $0x0;
	(pc) =	sbr.rel @p1 .LBB2_6-.Ltmp3, $4  }
0x48: {  	[sflag:s18] =	ssyncadd.s32 $0xFFFFF000  }
0x49: {  	[spmem:s2] =	stream.indirect.scatter.add.f32 [tilespmem:s17], [sflag:$0x2], $0x20, s16, s16, $0xb8;
	[tilespmem:$0x1B100] =	vst v63  }
0x4a: {  	_ =	swait.ge [sflag:s15], $0x1000  }
0x4b: {  	s21 =	smov.u32 s24;
	[sflag:s15] =	ssyncset.done $0x0  }
.Ltmp4:
0x4c: {  	_ = 	snop;
	(pc) =	sbr.rel .LBB2_7-.Ltmp4, $1  }
0x4d: {  	_ =	sdelay $0x3  }
.LBB2_2:
0x4e: {  	[tilespmem:s3], [sflag:$0x2] =	stream.linear.gather [hbm4b:s20+s3], $0x80, $0x38;
	[tilespmem:$0x1B100] =	vst v63  }
0x4f: {  	_ =	swait.ge [sflag:s15], $0x80  }
0x50: {  	[sflag:s15] =	ssyncset.done $0x0  }
0x51: {  	s31 =	sadd.s32 $0x0, s12;
	[sflag:s15] =	ssyncadd.s32 $0xFFFFFF80  }
0x52: {  	[tilespmem:s16], [sflag:$0x2] =	stream.linear.gather [hbm4b:s31+s3], $0x80, $0x38;
	[tilespmem:$0x1B100] =	vst v63  }
0x53: {  	_ =	swait.ge [sflag:s15], $0x80  }
0x54: {  	[sflag:s15] =	ssyncset.done $0x0  }
0x55: {  	[sflag:s15] =	ssyncadd.s32 $0xFFFFFF80  }
0x56: {  	[tilespmem:s17], [sflag:$0x1] =	stream.indirect.gather [hbm4b:s4+s16], $0x20, s3, s16, $0xb8;
	[tilespmem:$0x1B100] =	vst v63  }
0x57: {  	_ =	swait.ge [sflag:s18], $0x1000  }
0x58: {  	[sflag:s18] =	ssyncset.done $0x0  }
0x59: {  	[sflag:s18] =	ssyncadd.s32 $0xFFFFF000  }
0x5a: {  	[spmem:s2] =	stream.indirect.scatter.add.f32 [tilespmem:s17], [sflag:$0x2], $0x20, s16, s16, $0xb8;
	[tilespmem:$0x1B100] =	vst v63  }
0x5b: {  	_ =	swait.ge [sflag:s15], $0x1000  }
0x5c: {  	s20 =	simm.s32 $0x10;
	s21 =	simm.s32 $0x20;
	[sflag:s15] =	ssyncset.done $0x0  }
.LBB2_3:
0x5d: {  	s22 =	sadd.s32 s20, s13  }
0x5e: {  	[sflag:s15] =	ssyncadd.s32 $0xFFFFF000;
	s23 =	smov.u32 s21;
	s24 =	sadd.s32 $0x10, s21  }
0x5f: {  	[tilespmem:s3], [sflag:$0x2] =	stream.linear.gather [hbm4b:s22+s3], $0x80, $0x38;
	[tilespmem:$0x1B100] =	vst v63  }
0x60: {  	p1 =	seq.s32 s21, $0x1870;
	_ =	swait.ge [sflag:s15], $0x80  }
0x61: {  	[sflag:s15] =	ssyncset.done $0x0  }
0x62: {  	s21 =	sadd.s32 s20, s12;
	s20 =	smov.u32 s23;
	[sflag:s15] =	ssyncadd.s32 $0xFFFFFF80  }
0x63: {  	[tilespmem:s16], [sflag:$0x2] =	stream.linear.gather [hbm4b:s21+s3], $0x80, $0x38;
	[tilespmem:$0x1B100] =	vst v63  }
0x64: {  	_ =	swait.ge [sflag:s15], $0x80  }
0x65: {  	[sflag:s15] =	ssyncset.done $0x0  }
0x66: {  	[sflag:s15] =	ssyncadd.s32 $0xFFFFFF80  }
0x67: {  	[tilespmem:s17], [sflag:$0x1] =	stream.indirect.gather [hbm4b:s4+s16], $0x20, s3, s16, $0xb8;
	[tilespmem:$0x1B100] =	vst v63  }
0x68: {  	_ =	swait.ge [sflag:s18], $0x1000  }
.Ltmp5:
0x69: {  	[sflag:s18] =	ssyncset.done $0x0;
	(pc) =	sbr.rel @!p1 .LBB2_3-.Ltmp5, $4  }
0x6a: {  	[sflag:s18] =	ssyncadd.s32 $0xFFFFF000  }
0x6b: {  	[spmem:s2] =	stream.indirect.scatter.add.f32 [tilespmem:s17], [sflag:$0x2], $0x20, s16, s16, $0xb8;
	[tilespmem:$0x1B100] =	vst v63  }
0x6c: {  	_ =	swait.ge [sflag:s15], $0x1000  }
0x6d: {  	s21 =	smov.u32 s24;
	[sflag:s15] =	ssyncset.done $0x0  }
0x6e: {  	s21 =	sadd.s32 s20, s13;
	[sflag:s15] =	ssyncadd.s32 $0xFFFFF000  }
0x6f: {  	[tilespmem:s3], [sflag:$0x2] =	stream.linear.gather [hbm4b:s21+s3], $0x80, $0x38;
	[tilespmem:$0x1B100] =	vst v63  }
0x70: {  	_ =	swait.ge [sflag:s15], $0x80  }
0x71: {  	[sflag:s15] =	ssyncset.done $0x0  }
0x72: {  	s31 =	sadd.s32 s20, s12;
	[sflag:s15] =	ssyncadd.s32 $0xFFFFFF80  }
0x73: {  	[tilespmem:s16], [sflag:$0x2] =	stream.linear.gather [hbm4b:s31+s3], $0x80, $0x38;
	[tilespmem:$0x1B100] =	vst v63  }
0x74: {  	_ =	swait.ge [sflag:s15], $0x80  }
0x75: {  	[sflag:s15] =	ssyncset.done $0x0  }
0x76: {  	[sflag:s15] =	ssyncadd.s32 $0xFFFFFF80  }
0x77: {  	[tilespmem:s17], [sflag:$0x1] =	stream.indirect.gather [hbm4b:s4+s16], $0x20, s3, s16, $0xb8;
	[tilespmem:$0x1B100] =	vst v63  }
0x78: {  	_ =	swait.ge [sflag:s18], $0x1000  }
0x79: {  	[sflag:s18] =	ssyncset.done $0x0  }
.Ltmp6:
0x7a: {  	[sflag:s18] =	ssyncadd.s32 $0xFFFFF000;
	(pc) =	sbr.rel .LBB2_8-.Ltmp6, $4  }
0x7b: {  	[spmem:s2] =	stream.indirect.scatter.add.f32 [tilespmem:s17], [sflag:$0x2], $0x20, s16, s16, $0xb8;
	[tilespmem:$0x1B100] =	vst v63  }
0x7c: {  	_ =	swait.ge [sflag:s15], $0x1000  }
0x7d: {  	[sflag:s15] =	ssyncset.done $0x0  }
0x7e: {  	s20 =	smov.u32 s7;
	[sflag:s15] =	ssyncadd.s32 $0xFFFFF000  }
.LBB2_9:
0x7f: {  	_ =	sfence.sel $0x180000  }
0x80: {  	[bflag:$0x0] =	sbarrier.arrive $0xFFFF  }
0x81: {  	p0 =	sne.s32 s1, $0x0;
	_ =	strace $0x9000004D  }
0x82: {  	s0 =	sadd.s32 @!p0 $0x100000, s0;
	[bflag:$0x2] =	sbarrier.arrive $0xFFFF  }
0x83: {  	[sflag:s0] =	ssyncadd.tile.s32 @!p0 $0x1;
	_ =	shalt  }
.Lfunc_end2:
_tile_overlayer_lowered:
.L_overlay_start_2:
0x84: {  	(tag) =	ssettag $0x2  }
0x85: {  	s0 =	rddreg [dreg:$0x0];
	s2 =	stileid.u32  }
0x86: {  	s1 =	rddreg [dreg:$0x1];
	p0 =	sne.s32 s2, $0x0  }
0x87: {  	s3 =	rddreg [dreg:$0x2];
	[bflag:$0x3] =	sbarrier.arrive $0xFFFF;
	s2 =	simm.s32 @!p0 $0x1C02  }
0x88: {  	[timem:s3], [sflag:s2] =	dma.local @!p0 [hbm:s0], s1  }
0x89: {  	s0 =	simm.s32 @!p0 $0x2  }
0x8a: {  	_ =	swait.ge @!p0 [sflag:s0], s1  }
0x8b: {  	s1 =	ssub.s32 @!p0 $0x0, s1;
	[sflag:s0] =	ssyncset.done @!p0 $0x0  }
0x8c: {  	[sflag:s0] =	ssyncadd.s32 @!p0 s1  }
0x8d: {  	[bflag:$0x3] =	sbarrier.arrive $0xFFFF  }
0x8e: {  	_ =	shalt  }

// kernel: _run.8.cloned.1.call-start
scs
__scs_entry_jumppad:
0x0: {  	(pc) =	sbr.rel $0x88, $3  }
0x1: {  	(tag) =	ssettag $0x0;
	lr =	simm.s32 $0x1  }
0x2: {  	[smem:$0x3F96] =	sst lr;
	_ =	strace $0xD0000000  }
0x3: {  	_ = 	snop  }
0x4: {  	_ = 	snop  }
0x5: {  	_ = 	snop  }
0x6: {  	_ = 	snop  }
0x7: {  	_ = 	snop  }
__scs_overlays_trampoline_lowered:
0x8: {  	[smem:$0x3FA5] =	sst s0  }
0x9: {  	[smem:$0x3FA6] =	sst s1  }
0xa: {  	[smem:$0x3FA7] =	sst s2  }
0xb: {  	[smem:$0x3FA8] =	sst s3  }
0xc: {  	[smem:$0x3FA9] =	sst s4  }
0xd: {  	[smem:$0x3FAA] =	sst s5  }
0xe: {  	[smem:$0x3FAB] =	sst s6  }
0xf: {  	[smem:$0x3FAC] =	sst s7  }
0x10: {  	[smem:$0x3FAD] =	sst s8  }
0x11: {  	[smem:$0x3FAE] =	sst s9;
	s0 =	simm.s32 @!p0 $0x0  }
0x12: {  	s1 =	sld [smem:$0x3F94];
	s0 =	simm.s32 @p0 $0x1  }
0x13: {  	[smem:$0x3FAF] =	sst s0;
	s0 =	simm.s32 @!p1 $0x0  }
0x14: {  	s2 =	sld [smem:$0x3F93];
	s0 =	simm.s32 @p1 $0x1  }
0x15: {  	[smem:$0x3FB0] =	sst s0;
	s0 =	simm.s32 @!p2 $0x0  }
0x16: {  	s3 =	sld [smem:$0x3FDB];
	s0 =	simm.s32 @p2 $0x1  }
0x17: {  	s4 =	simm.s32 $0x1BF5;
	[smem:$0x3FB2] =	sst s0  }
0x18: {  	s0 =	sld [smem:$0x3F95];
	_ =	swait.ge [sflag:s4], $0x0  }
0x19: {  	s7 =	sld [smem:$0x3F96]  }
0x1a: {  	s8 =	sadd.s32 $0xFFFFE003, lr  }
0x1b: {  	s9 =	sadd.s32 $0xFFFFFEF7, lr;
	s5 =	simm.s32 $0xFFFFFFFF;
	p2 =	slt.u32 s8, $0xFFFFF086  }
0x1c: {  	p1 =	slt.u32 s9, $0xF7A;
	s5 =	simm.s32 @!p2 $0x0  }
0x1d: {  	s5 =	simm.s32 @p1 $0x1;
	p0 =	seq.s32 s7, s2  }
0x1e: {  	s7 =	smul.u32 @!p0 $0xF7A, s2;
	p2 =	seq.s32 @!p0 s5, $0x0  }
0x1f: {  	s9 =	smul.u32 $0xF7A, s1;
	s8 =	simm.s32 @!p0 $0x1BF5;
	p2 =	por !p2, p0  }
0x20: {  	[sflag:s8] =	ssyncset.s32 @!p0 $0xFFFFF086;
	s6 =	sadd.s32 @!p0 s3, s7;
	s7 =	simm.s32 @!p0 $0x108  }
0x21: {  	s3 =	sadd.s32 s3, s9;
	s6 =	sadd.s32 @!p0 $0x88, s6;
	s7 =	simm.s32 @p2 $0x1082  }
0x22: {  	[simem:s7], [sflag:s8] =	dma.local @!p0 [hbm:s6], $0xF7A  }
0x23: {  	s9 =	sor.u32 $0xD0000000, s2;
	s6 =	simm.s32 $0x108;
	_ =	swait.ge @!p0 [sflag:s8], $0x0  }
0x24: {  	s3 =	sadd.s32 $0x88, s3;
	s6 =	simm.s32 @!p1 $0x1082;
	[sflag:s4] =	ssyncset.s32 $0xFFFFF086  }
0x25: {  	[simem:s6], [sflag:s4] =	dma.local [hbm:s3], $0xF7A  }
0x26: {  	[smem:$0x3F96] =	sst s1;
	(tag) =	ssettag s2;
	_ =	strace s9  }
0x27: {  	s1 =	sld [smem:$0x3FA6]  }
0x28: {  	s2 =	sld [smem:$0x3FA7]  }
0x29: {  	s4 =	sld [smem:$0x3FA9]  }
0x2a: {  	p0 =	seq.s32 s5, $0x0;
	s5 =	sld [smem:$0x3FAA]  }
0x2b: {  	s6 =	sld [smem:$0x3FAB]  }
0x2c: {  	s7 =	sld [smem:$0x3FAC]  }
0x2d: {  	s3 =	simm.s32 $0x108;
	s8 =	sld [smem:$0x3FAD]  }
0x2e: {  	s3 =	simm.s32 @!p0 $0x1082;
	s9 =	sld [smem:$0x3FAE]  }
0x2f: {  	lr =	sadd.s32 s0, s3;
	s0 =	sld [smem:$0x3FA5]  }
0x30: {  	s3 =	sld [smem:$0x3FA8]  }
0x31: {  	[smem:$0x3FB1] =	sst s10  }
0x32: {  	s10 =	sld [smem:$0x3FAF];
	_ =	sdelay $0x3  }
0x33: {  	p0 =	seq.s32 s10, $0x1;
	s10 =	sld [smem:$0x3FB1];
	_ =	sdelay $0x3  }
0x34: {  	[smem:$0x3FB1] =	sst s10  }
0x35: {  	s10 =	sld [smem:$0x3FB0];
	_ =	sdelay $0x3  }
0x36: {  	p1 =	seq.s32 s10, $0x1;
	s10 =	sld [smem:$0x3FB1];
	_ =	sdelay $0x3  }
0x37: {  	[smem:$0x3FB1] =	sst s10  }
0x38: {  	s10 =	sld [smem:$0x3FB2]  }
0x39: {  	_ = 	snop;
	(pc) =	sbr.ind lr, $3  }
0x3a: {  	_ = 	snop  }
0x3b: {  	_ = 	snop  }
0x3c: {  	p2 =	seq.s32 s10, $0x1;
	s10 =	sld [smem:$0x3FB1]  }
0x3d: {  	_ =	shalt  }
0x3e: {  	_ =	shalt  }
0x3f: {  	_ =	shalt  }
0x40: {  	_ =	shalt  }
0x41: {  	_ =	shalt  }
0x42: {  	_ =	shalt  }
0x43: {  	_ =	shalt  }
0x44: {  	_ =	shalt  }
0x45: {  	_ =	shalt  }
0x46: {  	_ =	shalt  }
0x47: {  	_ =	shalt  }
0x48: {  	_ =	shalt  }
0x49: {  	_ =	shalt  }
0x4a: {  	_ =	shalt  }
0x4b: {  	_ =	shalt  }
0x4c: {  	_ =	shalt  }
0x4d: {  	_ =	shalt  }
0x4e: {  	_ =	shalt  }
0x4f: {  	_ =	shalt  }
0x50: {  	_ =	shalt  }
0x51: {  	_ =	shalt  }
0x52: {  	_ =	shalt  }
0x53: {  	_ =	shalt  }
0x54: {  	_ =	shalt  }
0x55: {  	_ =	shalt  }
0x56: {  	_ =	shalt  }
0x57: {  	_ =	shalt  }
0x58: {  	_ =	shalt  }
0x59: {  	_ =	shalt  }
0x5a: {  	_ =	shalt  }
0x5b: {  	_ =	shalt  }
0x5c: {  	_ =	shalt  }
0x5d: {  	_ =	shalt  }
0x5e: {  	_ =	shalt  }
0x5f: {  	_ =	shalt  }
0x60: {  	_ =	shalt  }
0x61: {  	_ =	shalt  }
0x62: {  	_ =	shalt  }
0x63: {  	_ =	shalt  }
0x64: {  	_ =	shalt  }
0x65: {  	_ =	shalt  }
0x66: {  	_ =	shalt  }
0x67: {  	_ =	shalt  }
0x68: {  	_ =	shalt  }
0x69: {  	_ =	shalt  }
0x6a: {  	_ =	shalt  }
0x6b: {  	_ =	shalt  }
0x6c: {  	_ =	shalt  }
0x6d: {  	_ =	shalt  }
0x6e: {  	_ =	shalt  }
0x6f: {  	_ =	shalt  }
0x70: {  	_ =	shalt  }
0x71: {  	_ =	shalt  }
0x72: {  	_ =	shalt  }
0x73: {  	_ =	shalt  }
0x74: {  	_ =	shalt  }
0x75: {  	_ =	shalt  }
0x76: {  	_ =	shalt  }
0x77: {  	_ =	shalt  }
0x78: {  	_ =	shalt  }
0x79: {  	_ =	shalt  }
0x7a: {  	_ =	shalt  }
0x7b: {  	_ =	shalt  }
0x7c: {  	_ =	shalt  }
0x7d: {  	_ =	shalt  }
0x7e: {  	_ =	shalt  }
0x7f: {  	_ =	shalt  }
0x80: {  	_ =	shalt  }
0x81: {  	_ =	shalt  }
0x82: {  	_ =	shalt  }
0x83: {  	_ =	shalt  }
0x84: {  	_ =	shalt  }
0x85: {  	_ =	shalt  }
0x86: {  	_ =	shalt  }
0x87: {  	_ =	shalt  }
.Lfunc_end0:
.L_simem_size_0:
called_computation_lowered:
.L_overlay_start_0:
0x88: {  	s2 =	sld [smem:$0x3FD9]  }
0x89: {  	s3 =	sld [smem:$0x3FFE];
	_ =	sdelay $0x1  }
0x8a: {  	s1 =	srdreg.scid  }
0x8b: {  	s0 =	sand.u32 $0x1, s1  }
0x8c: {  	s17 =	sshll.u32 s0, $0xA;
	s2 =	sadd.s32 s3, s2  }
0x8d: {  	s2 =	sadd.s32 s2, s17  }
0x8e: {  	[smem:$0x3FBD] =	sst s2  }
0x8f: {  	_ = 	snop  }
0x90: {  	s2 =	sld [smem:$0x3FD0];
	(tm) =	ssettm $0x1  }
0x91: {  	s18 =	sld [smem:$0x3FFB];
	_ =	sdelay $0x3  }
0x92: {  	_ =	strace s18  }
0x93: {  	s3 =	sld [smem:$0x3FFC];
	_ =	sdelay $0x3  }
0x94: {  	_ =	strace s3  }
0x95: {  	s3 =	sld [smem:$0x3FFD];
	_ =	sdelay $0x3  }
0x96: {  	_ =	strace s3  }
0x97: {  	_ =	strace $0x8FFFFFFF  }
0x98: {  	s19 =	sld [smem:$0x3FDB];
	_ =	sdelay $0x1  }
0x99: {  	s4 =	simm.s32 $_scs_section_size  }
0x9a: {  	s5 =	simm.s32 $_size__tile_overlayer_lowered;
	s6 =	simm.s32 $_tile_overlayer_lowered  }
0x9b: {  	s22 =	simm.s32 $0x1BFF;
	s21 =	sshll.u32 s6, $0x1;
	s3 =	sadd.s32 s4, s19  }
0x9c: {  	s7 =	simm.s32 $0x0;
	s20 =	sshll.u32 s5, $0x1;
	s5 =	sadd.s32 s21, s3  }
0x9d: {  	[timem:s7], [sflag:s22] =	dma.local [hbm:s5], s20  }
0x9e: {  	_ =	swait.ge [sflag:s22], s20  }
0x9f: {  	s4 =	ssub.s32 $0x0, s20;
	[sflag:s22] =	ssyncset.done $0x0  }
0xa0: {  	[sflag:s22] =	ssyncadd.s32 s4;
	_ =	sdelay $0x1  }
0xa1: {  	s23 =	simm.s32 $0x1B8B  }
0xa2: {  	_ =	swait.ge [sflag:s23], $0x1  }
0xa3: {  	[sflag:s23] =	ssyncset.done $0x0  }
0xa4: {  	s25 =	simm.s32 $0x1B8E;
	s24 =	sld [smem:$0x3FFE];
	[sflag:s23] =	ssyncadd.s32 $0xFFFFFFFF  }
0xa5: {  	s26 =	simm.s32 $execute0_lowered;
	[smem:$0x3FD2] =	sst s25  }
0xa6: {  	s5 =	sshll.u32 s26, $0x1;
	_ =	strace $0x80000046;
	[dreg:$0x1] =	wrdreg $0xFFFFFFFF  }
0xa7: {  	s28 =	simm.s32 $_size_execute0_lowered;
	s3 =	sadd.s32 s3, s5;
	[dreg:$0x0] =	wrdreg $0x0  }
0xa8: {  	s5 =	sshll.u32 s28, $0x1;
	[dreg:$0x2] =	wrdreg s3  }
0xa9: {  	[dreg:$0x3] =	wrdreg s5  }
0xaa: {  	[dreg:$0x4] =	wrdreg $0xC0  }
0xab: {  	_ =	task [dreg:s7], $0x5FFFF  }
0xac: {  	[dreg:$0x1] =	wrdreg $0xFFFFFFFF  }
0xad: {  	[dreg:$0x0] =	wrdreg $0x60  }
0xae: {  	[dreg:$0x2] =	wrdreg s24  }
0xaf: {  	[dreg:$0x3] =	wrdreg s2  }
0xb0: {  	[dreg:$0x4] =	wrdreg $0x11800  }
0xb1: {  	[dreg:$0x5] =	wrdreg $0x9  }
0xb2: {  	_ =	task.clear_ibuf [dreg:s7], $0x6FFFF;
	_ =	strace $0x90000046  }
0xb3: {  	s29 =	simm.s32 $0x9;
	_ =	strace $0x80000048  }
0xb4: {  	_ =	swait.ge [sflag:s29], $0x1  }
0xb5: {  	[sflag:s29] =	ssyncadd.s32 $0xFFFFFFFF  }
0xb6: {  	_ =	strace $0x90000048  }
0xb7: {  	_ =	sfence  }
0xb8: {  	s30 =	sld [smem:$0x0];
	_ =	sdelay $0x2  }
0xb9: {  	s31 =	sshll.u32 s1, $0xD;
	s1 =	sshrl.u32 s1, $0x2  }
0xba: {  	s3 =	sand.u32 $0x4000, s31;
	s1 =	sadd.s32 s1, s30  }
0xbb: {  	s0 =	sor.u32 s3, s0;
	s1 =	sshll.u32 s1, $0x11  }
0xbc: {  	s0 =	sor.u32 s1, s0  }
0xbd: {  	s0 =	sadd.s32 $0x8F2B, s0  }
0xbe: {  	[sflag:s0] =	ssyncadd.remote.s32 $0x1  }
0xbf: {  	_ =	sfence.sel $0xFFFF  }
0xc0: {  	[dreg:$0x0] =	wrdreg $0xFFFFFFFF;
	(pc) =	sbr.abs _section_cstart, $3  }
0xc1: {  	[dreg:$0x1] =	wrdreg $0xFFFFFFFF  }
0xc2: {  	_ =	task.clear_ibuf [dreg:s7], $0x2FFFF;
	_ =	strace $0x9FFFFFFF  }
0xc3: {  	(tm) =	ssettm $0x7FFFFFFF  }
tec
execute0_lowered:
.L_overlay_start_1:
0x0: {  	(tag) =	ssettag $0x1  }
0x1: {  	s8 =	rddreg [dreg:$0x0]  }
0x2: {  	s2 =	rddreg [dreg:$0x1];
	s1 =	stileid.u32  }
0x3: {  	s3 =	rddreg [dreg:$0x2];
	s7 =	smul.u32 $0x1A0, s1  }
0x4: {  	s0 =	rddreg [dreg:$0x3];
	s4 =	simm.s32 $0x0;
	s9 =	smul.u32 $0x1880, s1  }
0x5: {  	s5 =	srdreg.scid;
	s19 =	simm.s32 $0x80;
	s11 =	smul.u32 $0xD00, s1  }
0x6: {  	s20 =	simm.s32 $0x1;
	s10 =	sand.u32 $0x1, s5;
	s23 =	smul.u32 $0x3400, s1  }
0x7: {  	s21 =	simm.s32 $0x1080;
	s22 =	simm.s32 $0x0;
	s12 =	smul.u32 $0xD000, s10  }
0x8: {  	[smem:$0x7FF] =	sst s4;
	s5 =	sadd.s32 $0xF45A00, s8;
	s29 =	smul.u32 $0x1A00, s10  }
0x9: {  	s6 =	sadd.s32 $0x1316400, s8;
	s28 =	sshll.u32 s1, $0x6;
	s18 =	smul.u32 $0xD0, s10  }
0xa: {  	_ =	strace $0x80000047;
	s15 =	ssub.s32 $0x2, s10;
	s30 =	smul.u32 $0xC40, s10  }
0xb: {  	s13 =	sadd.s32 s7, s8;
	s14 =	sadd.s32 s9, s8;
	s7 =	sadd.s32 $0x37A00, s8  }
0xc: {  	s16 =	sadd.s32 s23, s8;
	s25 =	sshrl.u32 s15, $0x1;
	s17 =	sadd.s32 s11, s3  }
0xd: {  	s12 =	sadd.s32 s11, s12;
	s26 =	ssub.s32 s15, s25;
	s15 =	sadd.s32 s29, s16  }
0xe: {  	s18 =	sadd.s32 s18, s13;
	s31 =	sadd.s32 s30, s14;
	s16 =	sshrl.u32 s17, $0x3  }
0xf: {  	s17 =	simm.s32 $0x2;
	s12 =	sshrl.u32 s12, $0x3;
	s10 =	smax.u32 s26, $0x1  }
0x10: {  	s11 =	sadd.s32 $0x6BC00, s15;
	s13 =	sadd.s32 $0x5000, s18;
	s14 =	sadd.s32 $0x3600, s18  }
0x11: {  	s18 =	simm.s32 $0x1100;
	s24 =	sadd.s32 s12, s8;
	s8 =	sor.u32 $0x1C02, s28  }
0x12: {  	s12 =	sadd.s32 $0x37C00, s15;
	s15 =	sadd.s32 $0x1F200, s31;
	s9 =	sadd.s32 $0x9FC00, s24  }
.LBB2_1:
0x13: {  	[spmem:s16], [sflag:s8] =	dma.local [hbm:s2], $0x1A0  }
0x14: {  	_ =	swait.ge [sflag:s17], $0x1A0  }
0x15: {  	[sflag:s17] =	ssyncset.done $0x0  }
0x16: {  	[sflag:s17] =	ssyncadd.s32 $0xFFFFFE60  }
0x17: {  	[tilespmem:s18], [sflag:$0x2] =	stream.linear.gather [hbm4b:s7+s4], $0x80, $0x38;
	[tilespmem:$0x1E80] =	vst v63  }
0x18: {  	_ =	swait.ge [sflag:s17], $0x80  }
0x19: {  	[sflag:s17] =	ssyncset.done $0x0  }
0x1a: {  	[sflag:s17] =	ssyncadd.s32 $0xFFFFFF80  }
0x1b: {  	s23 =	sadd.s32 $0x0, s14;
	[bflag:$0x0] =	sbarrier.arrive $0xFFFF  }
0x1c: {  	[tilespmem:s4], [sflag:$0x2] =	stream.linear.gather [hbm4b:s23+s4], $0x80, $0x38;
	[tilespmem:$0x1E80] =	vst v63  }
0x1d: {  	_ =	swait.ge [sflag:s17], $0x80  }
0x1e: {  	[sflag:s17] =	ssyncset.done $0x0  }
0x1f: {  	[sflag:s17] =	ssyncadd.s32 $0xFFFFFF80  }
0x20: {  	[tilespmem:s19], [sflag:$0x1] =	stream.indirect.gather [hbm4b:s5+s19], $0x20, s4, s19, $0xb8;
	[tilespmem:$0x1E80] =	vst v63  }
0x21: {  	_ =	swait.ge [sflag:s20], $0x1000  }
0x22: {  	[sflag:s20] =	ssyncset.done $0x0  }
0x23: {  	[sflag:s20] =	ssyncadd.s32 $0xFFFFF000  }
0x24: {  	[hbm4b:s12+s4] =	stream.linear.scatter [tilespmem:s19], [sflag:$0x2], $0x1000, $0x38;
	[tilespmem:$0x1E80] =	vst v63  }
0x25: {  	_ =	swait.ge [sflag:s17], $0x1000  }
0x26: {  	[sflag:s17] =	ssyncset.done $0x0  }
0x27: {  	s31 =	sadd.s32 $0x0, s13;
	[sflag:s17] =	ssyncadd.s32 $0xFFFFF000  }
0x28: {  	[tilespmem:s4], [sflag:$0x2] =	stream.linear.gather [hbm4b:s31+s4], $0x80, $0x38;
	[tilespmem:$0x1E80] =	vst v63  }
0x29: {  	_ =	swait.ge [sflag:s17], $0x80  }
0x2a: {  	[sflag:s17] =	ssyncset.done $0x0  }
0x2b: {  	[sflag:s17] =	ssyncadd.s32 $0xFFFFFF80  }
0x2c: {  	[tilespmem:s19], [sflag:$0x1] =	stream.indirect.gather [hbm4b:s6+s19], $0x20, s4, s19, $0xb8;
	[tilespmem:$0x1E80] =	vst v63  }
0x2d: {  	_ =	swait.ge [sflag:s20], $0x1000  }
0x2e: {  	[sflag:s20] =	ssyncset.done $0x0  }
0x2f: {  	s25 =	simm.s32 $0x10;
	[sflag:s20] =	ssyncadd.s32 $0xFFFFF000  }
0x30: {  	[hbm4b:s11+s4] =	stream.linear.scatter [tilespmem:s19], [sflag:$0x2], $0x1000, $0x38;
	[tilespmem:$0x1E80] =	vst v63  }
0x31: {  	s29 =	sadd.s32 $0x10, s14;
	s28 =	simm.s32 $0x20;
	_ =	swait.ge [sflag:s17], $0x1000  }
0x32: {  	s24 =	sadd.s32 $0x200, s11;
	s26 =	sadd.s32 $0x200, s12;
	[sflag:s17] =	ssyncset.done $0x0  }
.LBB2_2:
0x33: {  	s30 =	sadd.s32 s28, s14  }
0x34: {  	s23 =	simm.s32 $0x0;
	[sflag:s17] =	ssyncadd.s32 $0xFFFFF000;
	s31 =	smov.u32 s28  }
0x35: {  	[tilespmem:s23], [sflag:$0x2] =	stream.linear.gather [hbm4b:s29+s23], $0x80, $0x38;
	[tilespmem:$0x1E80] =	vst v63  }
0x36: {  	p0 =	sne.s32 s28, $0xC0;
	s28 =	sadd.s32 $0x10, s28;
	_ =	swait.ge [sflag:s17], $0x80  }
0x37: {  	s29 =	smov.u32 s30;
	[sflag:s17] =	ssyncset.done $0x0  }
0x38: {  	[sflag:s17] =	ssyncadd.s32 $0xFFFFFF80  }
0x39: {  	[tilespmem:s19], [sflag:$0x1] =	stream.indirect.gather [hbm4b:s5+s19], $0x20, s23, s19, $0xb8;
	[tilespmem:$0x1E80] =	vst v63  }
0x3a: {  	_ =	swait.ge [sflag:s20], $0x1000  }
0x3b: {  	[sflag:s20] =	ssyncset.done $0x0  }
0x3c: {  	[sflag:s20] =	ssyncadd.s32 $0xFFFFF000  }
0x3d: {  	[hbm4b:s26+s23] =	stream.linear.scatter [tilespmem:s19], [sflag:$0x2], $0x1000, $0x38;
	[tilespmem:$0x1E80] =	vst v63  }
0x3e: {  	_ =	swait.ge [sflag:s17], $0x1000  }
0x3f: {  	[sflag:s17] =	ssyncset.done $0x0  }
0x40: {  	s30 =	sadd.s32 s25, s13;
	s25 =	smov.u32 s31;
	[sflag:s17] =	ssyncadd.s32 $0xFFFFF000  }
0x41: {  	[tilespmem:s23], [sflag:$0x2] =	stream.linear.gather [hbm4b:s30+s23], $0x80, $0x38;
	[tilespmem:$0x1E80] =	vst v63  }
0x42: {  	_ =	swait.ge [sflag:s17], $0x80  }
0x43: {  	[sflag:s17] =	ssyncset.done $0x0  }
0x44: {  	[sflag:s17] =	ssyncadd.s32 $0xFFFFFF80  }
0x45: {  	[tilespmem:s19], [sflag:$0x1] =	stream.indirect.gather [hbm4b:s6+s19], $0x20, s23, s19, $0xb8;
	[tilespmem:$0x1E80] =	vst v63  }
0x46: {  	_ =	swait.ge [sflag:s20], $0x1000  }
.Ltmp0:
0x47: {  	[sflag:s20] =	ssyncset.done $0x0;
	(pc) =	sbr.rel @p0 .LBB2_2-.Ltmp0, $4  }
0x48: {  	[sflag:s20] =	ssyncadd.s32 $0xFFFFF000  }
0x49: {  	[hbm4b:s24+s23] =	stream.linear.scatter [tilespmem:s19], [sflag:$0x2], $0x1000, $0x38;
	[tilespmem:$0x1E80] =	vst v63  }
0x4a: {  	_ =	swait.ge [sflag:s17], $0x1000  }
0x4b: {  	s26 =	sadd.s32 $0x200, s26;
	s24 =	sadd.s32 $0x200, s24;
	[sflag:s17] =	ssyncset.done $0x0  }
0x4c: {  	[sflag:s17] =	ssyncadd.s32 $0xFFFFF000  }
0x4d: {  	[tilespmem:s23], [sflag:$0x2] =	stream.linear.gather [hbm4b:s29+s23], $0x80, $0x38;
	[tilespmem:$0x1E80] =	vst v63  }
0x4e: {  	_ =	swait.ge [sflag:s17], $0x80  }
0x4f: {  	[sflag:s17] =	ssyncset.done $0x0  }
0x50: {  	[sflag:s17] =	ssyncadd.s32 $0xFFFFFF80  }
0x51: {  	[tilespmem:s19], [sflag:$0x1] =	stream.indirect.gather [hbm4b:s5+s19], $0x20, s23, s19, $0xb8;
	[tilespmem:$0x1E80] =	vst v63  }
0x52: {  	_ =	swait.ge [sflag:s20], $0x1000  }
0x53: {  	[sflag:s20] =	ssyncset.done $0x0  }
0x54: {  	[sflag:s20] =	ssyncadd.s32 $0xFFFFF000  }
0x55: {  	[hbm4b:s26+s23] =	stream.linear.scatter [tilespmem:s19], [sflag:$0x2], $0x1000, $0x38;
	[tilespmem:$0x1E80] =	vst v63  }
0x56: {  	_ =	swait.ge [sflag:s17], $0x1000  }
0x57: {  	[sflag:s17] =	ssyncset.done $0x0  }
0x58: {  	s25 =	sadd.s32 s25, s13;
	[sflag:s17] =	ssyncadd.s32 $0xFFFFF000  }
0x59: {  	[tilespmem:s23], [sflag:$0x2] =	stream.linear.gather [hbm4b:s25+s23], $0x80, $0x38;
	[tilespmem:$0x1E80] =	vst v63  }
0x5a: {  	_ =	swait.ge [sflag:s17], $0x80  }
0x5b: {  	[sflag:s17] =	ssyncset.done $0x0  }
0x5c: {  	[sflag:s17] =	ssyncadd.s32 $0xFFFFFF80  }
0x5d: {  	[tilespmem:s19], [sflag:$0x1] =	stream.indirect.gather [hbm4b:s6+s19], $0x20, s23, s19, $0xb8;
	[tilespmem:$0x1E80] =	vst v63  }
0x5e: {  	_ =	swait.ge [sflag:s20], $0x1000  }
0x5f: {  	p1 =	por $0x1, $0x1;
	[sflag:s20] =	ssyncset.done $0x0  }
.Ltmp1:
0x60: {  	[sflag:s20] =	ssyncadd.s32 $0xFFFFF000;
	(pc) =	sbr.rel @!p1 .LBB2_8-.Ltmp1, $4  }
0x61: {  	[hbm4b:s24+s23] =	stream.linear.scatter [tilespmem:s19], [sflag:$0x2], $0x1000, $0x38;
	[tilespmem:$0x1E80] =	vst v63  }
0x62: {  	_ =	swait.ge [sflag:s17], $0x1000  }
0x63: {  	[sflag:s17] =	ssyncset.done $0x0  }
0x64: {  	p0 =	por $0x0, $0x0;
	s24 =	simm.s32 $0x10;
	[sflag:s17] =	ssyncadd.s32 $0xFFFFF000  }
0x65: {  	s23 =	sadd.s32 $0x0, s15  }
0x66: {  	[tilespmem:s21], [sflag:$0x2] =	stream.linear.gather [hbm4b:s23+s4], $0x80, $0x38;
	[tilespmem:$0x1E80] =	vst v63  }
0x67: {  	p1 =	por $0x1, $0x1;
	_ =	swait.ge [sflag:s17], $0x80  }
.Ltmp2:
0x68: {  	[sflag:s17] =	ssyncset.done $0x0;
	(pc) =	sbr.rel @!p1 .LBB2_5-.Ltmp2, $4  }
0x69: {  	[sflag:s17] =	ssyncadd.s32 $0xFFFFFF80  }
0x6a: {  	[spmem:s3] =	stream.indirect.scatter.add.f32 [tilespmem:s18], [sflag:$0x2], $0x1, s21, s19, $0xb8;
	[tilespmem:$0x1E80] =	vst v63  }
0x6b: {  	_ =	swait.ge [sflag:s17], $0x80  }
0x6c: {  	p0 =	por $0x1, $0x1;
	s23 =	simm.s32 $0x20;
	[sflag:s17] =	ssyncset.done $0x0  }
.LBB2_6:
0x6d: {  	s25 =	sadd.s32 s24, s15  }
0x6e: {  	[sflag:s17] =	ssyncadd.s32 $0xFFFFFF80;
	s24 =	smov.u32 s23;
	s26 =	sadd.s32 $0x10, s23  }
0x6f: {  	[tilespmem:s21], [sflag:$0x2] =	stream.linear.gather [hbm4b:s25+s4], $0x80, $0x38;
	[tilespmem:$0x1E80] =	vst v63  }
0x70: {  	p1 =	sne.s32 s23, $0xC30;
	_ =	swait.ge [sflag:s17], $0x80  }
.Ltmp3:
0x71: {  	[sflag:s17] =	ssyncset.done $0x0;
	(pc) =	sbr.rel @p1 .LBB2_6-.Ltmp3, $4  }
0x72: {  	[sflag:s17] =	ssyncadd.s32 $0xFFFFFF80  }
0x73: {  	[spmem:s3] =	stream.indirect.scatter.add.f32 [tilespmem:s18], [sflag:$0x2], $0x1, s21, s19, $0xb8;
	[tilespmem:$0x1E80] =	vst v63  }
0x74: {  	_ =	swait.ge [sflag:s17], $0x80  }
0x75: {  	s23 =	smov.u32 s26;
	[sflag:s17] =	ssyncset.done $0x0  }
0x76: {  	s23 =	smov.u32 s24  }
.LBB2_8:
0x77: {  	s23 =	sadd.s32 s23, s15;
	[sflag:s17] =	ssyncadd.s32 @p0 $0xFFFFFF80  }
0x78: {  	[tilespmem:s21], [sflag:$0x2] =	stream.linear.gather [hbm4b:s23+s4], $0x80, $0x38;
	[tilespmem:$0x1E80] =	vst v63  }
0x79: {  	_ =	swait.ge [sflag:s17], $0x80  }
0x7a: {  	[sflag:s17] =	ssyncset.done $0x0  }
0x7b: {  	[sflag:s17] =	ssyncadd.s32 $0xFFFFFF80  }
0x7c: {  	[spmem:s3] =	stream.indirect.scatter.add.f32 [tilespmem:s18], [sflag:$0x2], $0x1, s21, s19, $0xb8;
	[tilespmem:$0x1E80] =	vst v63  }
0x7d: {  	_ =	swait.ge [sflag:s17], $0x80  }
0x7e: {  	[sflag:s17] =	ssyncset.done $0x0  }
0x7f: {  	s22 =	sadd.s32 $0x1, s22;
	[sflag:s17] =	ssyncadd.s32 $0xFFFFFF80  }
0x80: {  	p0 =	sne.s32 s22, s10;
	[bflag:$0x0] =	sbarrier.arrive $0xFFFF  }
0x81: {  	[hbm:s9], [sflag:s8] =	dma.local [spmem:s16], $0x1A0  }
.Ltmp4:
0x82: {  	_ = 	snop;
	(pc) =	sbr.rel @p0 .LBB2_1-.Ltmp4, $4  }
.Ltmp5:
0x83: {  	_ = 	snop;
	(pc) =	sbr.rel @!p0 .LBB2_9-.Ltmp5, $4  }
0x84: {  	_ =	swait.ge [sflag:s17], $0x1A0  }
0x85: {  	[sflag:s17] =	ssyncset.done $0x0  }
0x86: {  	[sflag:s17] =	ssyncadd.s32 $0xFFFFFE60  }
0x87: {  	_ = 	snop  }
.LBB2_5:
.Ltmp6:
0x88: {  	(pc) =	sbr.rel .LBB2_8-.Ltmp6, $2  }
0x89: {  	_ =	sdelay $0x2  }
0x8a: {  	s23 =	simm.s32 $0x10  }
.LBB2_9:
0x8b: {  	_ =	sfence.sel $0x180000  }
0x8c: {  	[bflag:$0x0] =	sbarrier.arrive $0xFFFF  }
0x8d: {  	p0 =	sne.s32 s1, $0x0;
	_ =	strace $0x90000047  }
0x8e: {  	s0 =	sadd.s32 @!p0 $0x100000, s0;
	[bflag:$0x2] =	sbarrier.arrive $0xFFFF  }
0x8f: {  	[sflag:s0] =	ssyncadd.tile.s32 @!p0 $0x1;
	_ =	shalt  }
.Lfunc_end2:
_tile_overlayer_lowered:
.L_overlay_start_2:
0x90: {  	(tag) =	ssettag $0x2  }
0x91: {  	s0 =	rddreg [dreg:$0x0];
	s2 =	stileid.u32  }
0x92: {  	s1 =	rddreg [dreg:$0x1];
	p0 =	sne.s32 s2, $0x0  }
0x93: {  	s3 =	rddreg [dreg:$0x2];
	[bflag:$0x3] =	sbarrier.arrive $0xFFFF;
	s2 =	simm.s32 @!p0 $0x1C02  }
0x94: {  	[timem:s3], [sflag:s2] =	dma.local @!p0 [hbm:s0], s1  }
0x95: {  	s0 =	simm.s32 @!p0 $0x2  }
0x96: {  	_ =	swait.ge @!p0 [sflag:s0], s1  }
0x97: {  	s1 =	ssub.s32 @!p0 $0x0, s1;
	[sflag:s0] =	ssyncset.done @!p0 $0x0  }
0x98: {  	[sflag:s0] =	ssyncadd.s32 @!p0 s1  }
0x99: {  	[bflag:$0x3] =	sbarrier.arrive $0xFFFF  }
0x9a: {  	_ =	shalt  }

</sc_bundles>
